<compile_context>
chip_gen: v7x
topology: tpu7x:2x2x1
jax: 0.10.2.dev20260603
libtpu: 0.0.44.dev20260713+nightly
codegen_flags: <defaults>
</compile_context>

<pallas_src>
import functools

import jax
import jax.numpy as jnp
from jax import lax
from jax.experimental import pallas as pl
from jax.experimental.pallas import tpu as pltpu
from jax.experimental.pallas import tpu_sc as plsc

E = 320000
N = 10000
D = 128

NC = 2
NS = 16
DH = D // NC
CH = 128
SUB = 4
BC = CH * SUB
NB = 39
EPT = NB * BC
NROWS = E // CH
XTRA = NROWS - NS * NB * SUB
RPT = N // NS
ZC = 125
RB2 = RPT - BC

_mesh = plsc.VectorSubcoreMesh(core_axis_name="c", subcore_axis_name="s")


@functools.partial(
    pl.kernel,
    out_type=jax.ShapeDtypeStruct((N, D), jnp.float32),
    mesh=_mesh,
    compiler_params=pltpu.CompilerParams(use_tc_tiling_on_sc=False),
    scratch_types=[
        pltpu.VMEM_SHARED((N, DH), jnp.float32),
        pltpu.VMEM((SUB, CH), jnp.int32),
        pltpu.VMEM((BC, DH), jnp.float32),
        pltpu.VMEM((SUB, CH), jnp.int32),
        pltpu.VMEM((BC, DH), jnp.float32),
        pltpu.VMEM((ZC, DH), jnp.float32),
        pltpu.SemaphoreType.DMA,
        pltpu.SemaphoreType.DMA,
        pltpu.SemaphoreType.DMA,
        pltpu.SemaphoreType.DMA,
        pltpu.SemaphoreType.DMA,
        pltpu.SemaphoreType.DMA,
    ],
)
def _seg_sum(seg_hbm, inter_hbm, out_hbm, acc, idx_a, rows_a, idx_b, rows_b,
             zbuf, semi_a, semr_a, semi_b, semr_b, sem_sa, sem_sb):
    c = lax.axis_index("c")
    s = lax.axis_index("s")
    col0 = c * DH
    row0 = s * (NB * SUB)
    eoff0 = s * EPT

    def loads(g, idxb, rowsb, semi, semr):
        row = row0 + g * SUB
        eoff = eoff0 + g * BC
        ci = pltpu.make_async_copy(seg_hbm.at[pl.ds(row, SUB)], idxb, semi)
        cr = pltpu.make_async_copy(
            inter_hbm.at[pl.ds(eoff, BC), pl.ds(col0, DH)], rowsb, semr)
        return ci, cr

    def fire(g, idxb, rowsb, semi, semr):
        ci, cr = loads(g, idxb, rowsb, semi, semr)
        ci.start()
        cr.start()

    def wait(g, idxb, rowsb, semi, semr):
        ci, cr = loads(g, idxb, rowsb, semi, semr)
        ci.wait()
        cr.wait()

    def scatter_fire(idxb, rowsb, sem):
        return [pltpu.async_copy(rowsb.at[pl.ds(k * CH, CH)],
                                 acc.at[idxb.at[k]], sem, add=True)
                for k in range(SUB)]

    def scatter_wait(hs):
        for h in hs:
            h.wait()

    A = (idx_a, rows_a, semi_a, semr_a)
    B = (idx_b, rows_b, semi_b, semr_b)

    fire(0, *A)
    fire(1, *B)

    zero16 = jnp.zeros((16,), jnp.float32)

    def zrow(i, carry):
        for j in range(DH // 16):
            zbuf[i, pl.ds(j * 16, 16)] = zero16
        return carry

    lax.fori_loop(0, ZC, zrow, 0)

    def zchunk(q, carry):
        pltpu.sync_copy(zbuf, acc.at[pl.ds(s * RPT + q * ZC, ZC)])
        return carry

    lax.fori_loop(0, RPT // ZC, zchunk, 0)
    plsc.subcore_barrier()

    def body(i, carry):
        g = 2 * i
        wait(g, *A)
        scatter_wait(scatter_fire(idx_a, rows_a, sem_sa))
        fire(g + 2, *A)
        wait(g + 1, *B)
        scatter_wait(scatter_fire(idx_b, rows_b, sem_sb))

        @pl.when(g + 3 < NB)
        def _():
            fire(g + 3, *B)

        return carry

    lax.fori_loop(0, (NB - 1) // 2, body, 0)

    wait(NB - 1, *A)
    scatter_wait(scatter_fire(idx_a, rows_a, sem_sa))

    @pl.when(s < XTRA)
    def _tail():
        row = NS * NB * SUB + s
        eoff = row * CH
        pltpu.sync_copy(seg_hbm.at[pl.ds(row, 1)], idx_a.at[pl.ds(0, 1)])
        pltpu.sync_copy(inter_hbm.at[pl.ds(eoff, CH), pl.ds(col0, DH)],
                        rows_a.at[pl.ds(0, CH)])
        pltpu.sync_copy(rows_a.at[pl.ds(0, CH)], acc.at[idx_a.at[0]], add=True)

    plsc.subcore_barrier()

    r0 = s * RPT
    pltpu.sync_copy(acc.at[pl.ds(r0, BC)], rows_a)
    w1 = pltpu.async_copy(rows_a, out_hbm.at[pl.ds(r0, BC), pl.ds(col0, DH)],
                          semr_a)
    pltpu.sync_copy(acc.at[pl.ds(r0 + BC, RB2)], zbuf.at[pl.ds(0, RB2)])
    w2 = pltpu.async_copy(zbuf.at[pl.ds(0, RB2)],
                          out_hbm.at[pl.ds(r0 + BC, RB2), pl.ds(col0, DH)],
                          semr_b)
    w1.wait()
    w2.wait()


def kernel(ind_2, inter):
    seg = ind_2[:, 0].reshape(NROWS, CH)
    return _seg_sum(seg, inter)

# --- scband reference (transcript-rebuilt; emitter-appended) ---
"""Pipeline reference for scband-iplayer-39539468927516 (READ-ONLY COPY).

The authoritative reference and input builder live on the scoring server;
editing this copy changes nothing except your own understanding.
"""

import jax, jax.numpy as jnp
import numpy as np

E = 320000
N_ATOMS = 10000
D = 128

def setup_inputs(seed: int = 0) -> dict:
    key = jax.random.key(seed)
    k1, k2 = jax.random.split(key)
    ind_2 = jax.random.randint(k1, (E, 2), 0, N_ATOMS, dtype=jnp.int32)
    # guarantee the max index is present so n_atoms = reduce_max(ind_2)+1 is deterministic
    ind_2 = ind_2.at[0, 0].set(N_ATOMS - 1)
    inter = jax.random.normal(k2, (E, D), dtype=jnp.float32)
    return {"ind_2": ind_2, "inter": inter}

def reference(ind_2, inter):
    # PiNet IP layer: n_atoms = reduce_max(ind_2)+1; unsorted_segment_sum(inter, ind_2[:,0], n_atoms)
    n_atoms = N_ATOMS
    seg = ind_2[:, 0]
    return jax.ops.segment_sum(inter, seg, num_segments=n_atoms)

if __name__ == "__main__":
    import jax
    _d = setup_inputs()
    print(jax.jit(kernel)(*tuple(_d.values())))

</pallas_src>

<mosaic_0001>
#map = affine_map<(d0, d1) -> (0, 0)>
module attributes {stable_mosaic.version = 14 : i64} {
  func.func @_seg_sum(%arg0: i32, %arg1: i32, %arg2: memref<2500x128xi32, #tpu.memory_space<hbm>>, %arg3: memref<320000x128xf32, #tpu.memory_space<hbm>>, %arg4: memref<10000x128xf32, #tpu.memory_space<hbm>>, %arg5: memref<10000x64xf32, #tpu.memory_space<vmem_shared>>, %arg6: memref<4x128xi32, #tpu.memory_space<vmem>>, %arg7: memref<512x64xf32, #tpu.memory_space<vmem>>, %arg8: memref<4x128xi32, #tpu.memory_space<vmem>>, %arg9: memref<512x64xf32, #tpu.memory_space<vmem>>, %arg10: memref<125x64xf32, #tpu.memory_space<vmem>>, %arg11: memref<!tpu.dma_semaphore, #tpu.memory_space<semaphore_mem>>, %arg12: memref<!tpu.dma_semaphore, #tpu.memory_space<semaphore_mem>>, %arg13: memref<!tpu.dma_semaphore, #tpu.memory_space<semaphore_mem>>, %arg14: memref<!tpu.dma_semaphore, #tpu.memory_space<semaphore_mem>>, %arg15: memref<!tpu.dma_semaphore, #tpu.memory_space<semaphore_mem>>, %arg16: memref<!tpu.dma_semaphore, #tpu.memory_space<semaphore_mem>>) attributes {dimension_semantics = [#tpu.dimension_semantics<core_parallel>, #tpu.dimension_semantics<subcore_parallel>], iteration_bounds = array<i64: 2, 16>, scalar_prefetch = 0 : i64, scratch_operands = 12 : i64, tpu.core_type = #tpu.core_type<sc_vector_subcore>, window_params = [{transform_indices = #map}, {transform_indices = #map}, {transform_indices = #map}]} {
    %mul3A = arith.constant 64 : i32
    %mul3A_0 = arith.muli %arg0, %mul3A : i32
    %mul3A_1 = arith.constant 156 : i32
    %mul3A_2 = arith.muli %arg1, %mul3A_1 : i32
    %mul3A_3 = arith.constant 19968 : i32
    %mul3A_4 = arith.muli %arg1, %mul3A_3 : i32
    %add3A = arith.constant 0 : i32
    %add3A_5 = arith.addi %mul3A_2, %add3A : i32
    %add3A_6 = arith.constant 0 : i32
    %add3A_7 = arith.addi %mul3A_4, %add3A_6 : i32
    %dma_start3A = arith.constant 0 : i32
    %dma_start3A_8 = tpu.memref_slice %arg2[%add3A_5, %dma_start3A] : memref<2500x128xi32, #tpu.memory_space<hbm>> -> memref<4x128xi32, #tpu.memory_space<hbm>>
    %dma_start3A_9 = arith.constant 0 : i32
    %dma_start3A_10 = tpu.memref_slice %arg2[%add3A_5, %dma_start3A_9] : memref<2500x128xi32, #tpu.memory_space<hbm>> -> memref<4x128xi32, #tpu.memory_space<hbm>>
    tpu.enqueue_dma source(%dma_start3A_10 : memref<4x128xi32, #tpu.memory_space<hbm>>) target(%arg6 : memref<4x128xi32, #tpu.memory_space<vmem>>) target_semaphore(%arg11 : memref<!tpu.dma_semaphore, #tpu.memory_space<semaphore_mem>>)
    %dma_start3A_11 = tpu.memref_slice %arg3[%add3A_7, %mul3A_0] : memref<320000x128xf32, #tpu.memory_space<hbm>> -> memref<512x64xf32, #tpu.memory_space<hbm>>
    %dma_start3A_12 = tpu.memref_slice %arg3[%add3A_7, %mul3A_0] : memref<320000x128xf32, #tpu.memory_space<hbm>> -> memref<512x64xf32, #tpu.memory_space<hbm>>
    tpu.enqueue_dma source(%dma_start3A_12 : memref<512x64xf32, #tpu.memory_space<hbm>>) target(%arg7 : memref<512x64xf32, #tpu.memory_space<vmem>>) target_semaphore(%arg12 : memref<!tpu.dma_semaphore, #tpu.memory_space<semaphore_mem>>)
    %add3A_13 = arith.constant 4 : i32
    %add3A_14 = arith.addi %mul3A_2, %add3A_13 : i32
    %add3A_15 = arith.constant 512 : i32
    %add3A_16 = arith.addi %mul3A_4, %add3A_15 : i32
    %dma_start3A_17 = arith.constant 0 : i32
    %dma_start3A_18 = tpu.memref_slice %arg2[%add3A_14, %dma_start3A_17] : memref<2500x128xi32, #tpu.memory_space<hbm>> -> memref<4x128xi32, #tpu.memory_space<hbm>>
    %dma_start3A_19 = arith.constant 0 : i32
    %dma_start3A_20 = tpu.memref_slice %arg2[%add3A_14, %dma_start3A_19] : memref<2500x128xi32, #tpu.memory_space<hbm>> -> memref<4x128xi32, #tpu.memory_space<hbm>>
    tpu.enqueue_dma source(%dma_start3A_20 : memref<4x128xi32, #tpu.memory_space<hbm>>) target(%arg8 : memref<4x128xi32, #tpu.memory_space<vmem>>) target_semaphore(%arg13 : memref<!tpu.dma_semaphore, #tpu.memory_space<semaphore_mem>>)
    %dma_start3A_21 = tpu.memref_slice %arg3[%add3A_16, %mul3A_0] : memref<320000x128xf32, #tpu.memory_space<hbm>> -> memref<512x64xf32, #tpu.memory_space<hbm>>
    %dma_start3A_22 = tpu.memref_slice %arg3[%add3A_16, %mul3A_0] : memref<320000x128xf32, #tpu.memory_space<hbm>> -> memref<512x64xf32, #tpu.memory_space<hbm>>
    tpu.enqueue_dma source(%dma_start3A_22 : memref<512x64xf32, #tpu.memory_space<hbm>>) target(%arg9 : memref<512x64xf32, #tpu.memory_space<vmem>>) target_semaphore(%arg14 : memref<!tpu.dma_semaphore, #tpu.memory_space<semaphore_mem>>)
    %broadcast_in_dim3A = arith.constant 0.000000e+00 : f32
    %broadcast_in_dim3A_23 = vector.broadcast %broadcast_in_dim3A : f32 to vector<16xf32>
    %scan3A = arith.constant 0 : i32
    %scan3A_24 = arith.constant 0 : i32
    %scan3A_25 = arith.constant 125 : i32
    %scan3A_26 = arith.addi %scan3A_24, %scan3A_25 : i32
    %scan3A_27 = arith.constant 1 : i32
    scf.for %scan3A_159 = %scan3A_24 to %scan3A_26 step %scan3A_27  : i32 {
      %swap3A = arith.index_cast %scan3A_159 : i32 to index
      %swap3A_160 = arith.constant 0 : index
      %swap3A_161 = tpu.vector_load %arg10[%swap3A, %swap3A_160] {strides = array<i32>} : memref<125x64xf32, #tpu.memory_space<vmem>>, vector<1x16xf32>,
      %swap3A_162 = vector.shape_cast %swap3A_161 : vector<1x16xf32> to vector<16xf32>
      %swap3A_163 = vector.shape_cast %broadcast_in_dim3A_23 : vector<16xf32> to vector<1x16xf32>
      tpu.vector_store %arg10[%swap3A, %swap3A_160], %swap3A_163 {strides = array<i32>} : memref<125x64xf32, #tpu.memory_space<vmem>>, vector<1x16xf32>,
      %swap3A_164 = arith.index_cast %scan3A_159 : i32 to index
      %swap3A_165 = arith.constant 16 : index
      %swap3A_166 = tpu.vector_load %arg10[%swap3A_164, %swap3A_165] {strides = array<i32>} : memref<125x64xf32, #tpu.memory_space<vmem>>, vector<1x16xf32>,
      %swap3A_167 = vector.shape_cast %swap3A_166 : vector<1x16xf32> to vector<16xf32>
      %swap3A_168 = vector.shape_cast %broadcast_in_dim3A_23 : vector<16xf32> to vector<1x16xf32>
      tpu.vector_store %arg10[%swap3A_164, %swap3A_165], %swap3A_168 {strides = array<i32>} : memref<125x64xf32, #tpu.memory_space<vmem>>, vector<1x16xf32>,
      %swap3A_169 = arith.index_cast %scan3A_159 : i32 to index
      %swap3A_170 = arith.constant 32 : index
      %swap3A_171 = tpu.vector_load %arg10[%swap3A_169, %swap3A_170] {strides = array<i32>} : memref<125x64xf32, #tpu.memory_space<vmem>>, vector<1x16xf32>,
      %swap3A_172 = vector.shape_cast %swap3A_171 : vector<1x16xf32> to vector<16xf32>
      %swap3A_173 = vector.shape_cast %broadcast_in_dim3A_23 : vector<16xf32> to vector<1x16xf32>
      tpu.vector_store %arg10[%swap3A_169, %swap3A_170], %swap3A_173 {strides = array<i32>} : memref<125x64xf32, #tpu.memory_space<vmem>>, vector<1x16xf32>,
      %swap3A_174 = arith.index_cast %scan3A_159 : i32 to index
      %swap3A_175 = arith.constant 48 : index
      %swap3A_176 = tpu.vector_load %arg10[%swap3A_174, %swap3A_175] {strides = array<i32>} : memref<125x64xf32, #tpu.memory_space<vmem>>, vector<1x16xf32>,
      %swap3A_177 = vector.shape_cast %swap3A_176 : vector<1x16xf32> to vector<16xf32>
      %swap3A_178 = vector.shape_cast %broadcast_in_dim3A_23 : vector<16xf32> to vector<1x16xf32>
      tpu.vector_store %arg10[%swap3A_174, %swap3A_175], %swap3A_178 {strides = array<i32>} : memref<125x64xf32, #tpu.memory_space<vmem>>, vector<1x16xf32>,
    }
    %scan3A_28 = arith.constant 125 : i32
    %scan3A_29 = arith.constant 0 : i32
    %scan3A_30 = arith.constant 0 : i32
    %scan3A_31 = arith.constant 5 : i32
    %scan3A_32 = arith.addi %scan3A_30, %scan3A_31 : i32
    %scan3A_33 = arith.constant 1 : i32
    scf.for %scan3A_159 = %scan3A_30 to %scan3A_32 step %scan3A_33  : i32 {
      %mul3A_160 = arith.constant 625 : i32
      %mul3A_161 = arith.muli %arg1, %mul3A_160 : i32
      %mul3A_162 = arith.constant 125 : i32
      %mul3A_163 = arith.muli %scan3A_159, %mul3A_162 : i32
      %add3A_164 = arith.addi %mul3A_161, %mul3A_163 : i32
      "tpu.region"() ({
        %run_scoped3A = tpu.sem_alloc : memref<!tpu.dma_semaphore, #tpu.memory_space<semaphore_mem>>
        %dma_start3A_165 = arith.constant 0 : i32
        %dma_start3A_166 = tpu.memref_slice %arg5[%add3A_164, %dma_start3A_165] : memref<10000x64xf32, #tpu.memory_space<vmem_shared>> -> memref<125x64xf32, #tpu.memory_space<vmem_shared>>
        %dma_start3A_167 = arith.constant 0 : i32
        %dma_start3A_168 = tpu.memref_slice %arg5[%add3A_164, %dma_start3A_167] : memref<10000x64xf32, #tpu.memory_space<vmem_shared>> -> memref<125x64xf32, #tpu.memory_space<vmem_shared>>
        tpu.enqueue_dma source(%arg10 : memref<125x64xf32, #tpu.memory_space<vmem>>) target(%dma_start3A_168 : memref<125x64xf32, #tpu.memory_space<vmem_shared>>) target_semaphore(%run_scoped3A : memref<!tpu.dma_semaphore, #tpu.memory_space<semaphore_mem>>)
        %dma_wait3A_169 = arith.constant 0 : i32
        %dma_wait3A_170 = tpu.memref_slice %arg5[%add3A_164, %dma_wait3A_169] : memref<10000x64xf32, #tpu.memory_space<vmem_shared>> -> memref<125x64xf32, #tpu.memory_space<vmem_shared>>
        %dma_wait3A_171 = arith.constant 0 : i32
        %dma_wait3A_172 = tpu.memref_slice %arg5[%add3A_164, %dma_wait3A_171] : memref<10000x64xf32, #tpu.memory_space<vmem_shared>> -> memref<125x64xf32, #tpu.memory_space<vmem_shared>>
        tpu.wait_dma2 semaphore(%run_scoped3A : memref<!tpu.dma_semaphore, #tpu.memory_space<semaphore_mem>>) src(%arg10 : memref<125x64xf32, #tpu.memory_space<vmem>>) dst(%dma_wait3A_172 : memref<125x64xf32, #tpu.memory_space<vmem_shared>>)
        tpu.yield
      }) : () -> ()
    }
    %scan3A_34 = arith.constant 5 : i32
    %barrier3A = arith.constant 0 : index
    tpu.barrier barrier_id(%barrier3A)
    %scan3A_35 = arith.constant 0 : i32
    %scan3A_36 = arith.constant 0 : i32
    %scan3A_37 = arith.constant 19 : i32
    %scan3A_38 = arith.addi %scan3A_36, %scan3A_37 : i32
    %scan3A_39 = arith.constant 1 : i32
    scf.for %scan3A_159 = %scan3A_36 to %scan3A_38 step %scan3A_39  : i32 {
      %mul3A_160 = arith.constant 2 : i32
      %mul3A_161 = arith.muli %mul3A_160, %scan3A_159 : i32
      %mul3A_162 = arith.constant 4 : i32
      %mul3A_163 = arith.muli %mul3A_161, %mul3A_162 : i32
      %add3A_164 = arith.addi %mul3A_2, %mul3A_163 : i32
      %mul3A_165 = arith.constant 512 : i32
      %mul3A_166 = arith.muli %mul3A_161, %mul3A_165 : i32
      %add3A_167 = arith.addi %mul3A_4, %mul3A_166 : i32
      %dma_wait3A_168 = arith.constant 0 : i32
      %dma_wait3A_169 = tpu.memref_slice %arg2[%add3A_164, %dma_wait3A_168] : memref<2500x128xi32, #tpu.memory_space<hbm>> -> memref<4x128xi32, #tpu.memory_space<hbm>>
      %dma_wait3A_170 = arith.constant 0 : i32
      %dma_wait3A_171 = tpu.memref_slice %arg2[%add3A_164, %dma_wait3A_170] : memref<2500x128xi32, #tpu.memory_space<hbm>> -> memref<4x128xi32, #tpu.memory_space<hbm>>
      tpu.wait_dma2 semaphore(%arg11 : memref<!tpu.dma_semaphore, #tpu.memory_space<semaphore_mem>>) src(%dma_wait3A_171 : memref<4x128xi32, #tpu.memory_space<hbm>>) dst(%arg6 : memref<4x128xi32, #tpu.memory_space<vmem>>)
      %dma_wait3A_172 = tpu.memref_slice %arg3[%add3A_167, %mul3A_0] : memref<320000x128xf32, #tpu.memory_space<hbm>> -> memref<512x64xf32, #tpu.memory_space<hbm>>
      %dma_wait3A_173 = tpu.memref_slice %arg3[%add3A_167, %mul3A_0] : memref<320000x128xf32, #tpu.memory_space<hbm>> -> memref<512x64xf32, #tpu.memory_space<hbm>>
      tpu.wait_dma2 semaphore(%arg12 : memref<!tpu.dma_semaphore, #tpu.memory_space<semaphore_mem>>) src(%dma_wait3A_173 : memref<512x64xf32, #tpu.memory_space<hbm>>) dst(%arg7 : memref<512x64xf32, #tpu.memory_space<vmem>>)
      %dma_start3A_174 = arith.constant 0 : i32
      %dma_start3A_175 = arith.constant 0 : i32
      %dma_start3A_176 = arith.constant 0 : i32
      %dma_start3A_177 = tpu.memref_slice %arg7[%dma_start3A_175, %dma_start3A_176] : memref<512x64xf32, #tpu.memory_space<vmem>> -> memref<128x64xf32, #tpu.memory_space<vmem>>
      %dma_start3A_178 = arith.constant 0 : i32
      %dma_start3A_179 = tpu.memref_slice %arg6[%dma_start3A_174, %dma_start3A_178] : memref<4x128xi32, #tpu.memory_space<vmem>> -> memref<1x128xi32, #tpu.memory_space<vmem>>
      %dma_start3A_180 = tpu.memref_squeeze %dma_start3A_179 : memref<1x128xi32, #tpu.memory_space<vmem>> -> memref<128xi32, #tpu.memory_space<vmem>>
      %dma_start3A_181 = arith.constant 0 : i32
      %dma_start3A_182 = arith.constant 0 : i32
      %dma_start3A_183 = tpu.memref_slice %arg5[%dma_start3A_181, %dma_start3A_182] : memref<10000x64xf32, #tpu.memory_space<vmem_shared>> -> memref<10000x64xf32, #tpu.memory_space<vmem_shared>>
      tpu.enqueue_indirect_dma source(%dma_start3A_177 : memref<128x64xf32, #tpu.memory_space<vmem>>) target(%dma_start3A_183 : memref<10000x64xf32, #tpu.memory_space<vmem_shared>>) offsets(%dma_start3A_180 : memref<128xi32, #tpu.memory_space<vmem>>) semaphore(%arg15 : memref<!tpu.dma_semaphore, #tpu.memory_space<semaphore_mem>>) {add = true}
      %dma_start3A_184 = arith.constant 1 : i32
      %dma_start3A_185 = arith.constant 128 : i32
      %dma_start3A_186 = arith.constant 0 : i32
      %dma_start3A_187 = tpu.memref_slice %arg7[%dma_start3A_185, %dma_start3A_186] : memref<512x64xf32, #tpu.memory_space<vmem>> -> memref<128x64xf32, #tpu.memory_space<vmem>>
      %dma_start3A_188 = arith.constant 0 : i32
      %dma_start3A_189 = tpu.memref_slice %arg6[%dma_start3A_184, %dma_start3A_188] : memref<4x128xi32, #tpu.memory_space<vmem>> -> memref<1x128xi32, #tpu.memory_space<vmem>>
      %dma_start3A_190 = tpu.memref_squeeze %dma_start3A_189 : memref<1x128xi32, #tpu.memory_space<vmem>> -> memref<128xi32, #tpu.memory_space<vmem>>
      %dma_start3A_191 = arith.constant 0 : i32
      %dma_start3A_192 = arith.constant 0 : i32
      %dma_start3A_193 = tpu.memref_slice %arg5[%dma_start3A_191, %dma_start3A_192] : memref<10000x64xf32, #tpu.memory_space<vmem_shared>> -> memref<10000x64xf32, #tpu.memory_space<vmem_shared>>
      tpu.enqueue_indirect_dma source(%dma_start3A_187 : memref<128x64xf32, #tpu.memory_space<vmem>>) target(%dma_start3A_193 : memref<10000x64xf32, #tpu.memory_space<vmem_shared>>) offsets(%dma_start3A_190 : memref<128xi32, #tpu.memory_space<vmem>>) semaphore(%arg15 : memref<!tpu.dma_semaphore, #tpu.memory_space<semaphore_mem>>) {add = true}
      %dma_start3A_194 = arith.constant 2 : i32
      %dma_start3A_195 = arith.constant 256 : i32
      %dma_start3A_196 = arith.constant 0 : i32
      %dma_start3A_197 = tpu.memref_slice %arg7[%dma_start3A_195, %dma_start3A_196] : memref<512x64xf32, #tpu.memory_space<vmem>> -> memref<128x64xf32, #tpu.memory_space<vmem>>
      %dma_start3A_198 = arith.constant 0 : i32
      %dma_start3A_199 = tpu.memref_slice %arg6[%dma_start3A_194, %dma_start3A_198] : memref<4x128xi32, #tpu.memory_space<vmem>> -> memref<1x128xi32, #tpu.memory_space<vmem>>
      %dma_start3A_200 = tpu.memref_squeeze %dma_start3A_199 : memref<1x128xi32, #tpu.memory_space<vmem>> -> memref<128xi32, #tpu.memory_space<vmem>>
      %dma_start3A_201 = arith.constant 0 : i32
      %dma_start3A_202 = arith.constant 0 : i32
      %dma_start3A_203 = tpu.memref_slice %arg5[%dma_start3A_201, %dma_start3A_202] : memref<10000x64xf32, #tpu.memory_space<vmem_shared>> -> memref<10000x64xf32, #tpu.memory_space<vmem_shared>>
      tpu.enqueue_indirect_dma source(%dma_start3A_197 : memref<128x64xf32, #tpu.memory_space<vmem>>) target(%dma_start3A_203 : memref<10000x64xf32, #tpu.memory_space<vmem_shared>>) offsets(%dma_start3A_200 : memref<128xi32, #tpu.memory_space<vmem>>) semaphore(%arg15 : memref<!tpu.dma_semaphore, #tpu.memory_space<semaphore_mem>>) {add = true}
      %dma_start3A_204 = arith.constant 3 : i32
      %dma_start3A_205 = arith.constant 384 : i32
      %dma_start3A_206 = arith.constant 0 : i32
      %dma_start3A_207 = tpu.memref_slice %arg7[%dma_start3A_205, %dma_start3A_206] : memref<512x64xf32, #tpu.memory_space<vmem>> -> memref<128x64xf32, #tpu.memory_space<vmem>>
      %dma_start3A_208 = arith.constant 0 : i32
      %dma_start3A_209 = tpu.memref_slice %arg6[%dma_start3A_204, %dma_start3A_208] : memref<4x128xi32, #tpu.memory_space<vmem>> -> memref<1x128xi32, #tpu.memory_space<vmem>>
      %dma_start3A_210 = tpu.memref_squeeze %dma_start3A_209 : memref<1x128xi32, #tpu.memory_space<vmem>> -> memref<128xi32, #tpu.memory_space<vmem>>
      %dma_start3A_211 = arith.constant 0 : i32
      %dma_start3A_212 = arith.constant 0 : i32
      %dma_start3A_213 = tpu.memref_slice %arg5[%dma_start3A_211, %dma_start3A_212] : memref<10000x64xf32, #tpu.memory_space<vmem_shared>> -> memref<10000x64xf32, #tpu.memory_space<vmem_shared>>
      tpu.enqueue_indirect_dma source(%dma_start3A_207 : memref<128x64xf32, #tpu.memory_space<vmem>>) target(%dma_start3A_213 : memref<10000x64xf32, #tpu.memory_space<vmem_shared>>) offsets(%dma_start3A_210 : memref<128xi32, #tpu.memory_space<vmem>>) semaphore(%arg15 : memref<!tpu.dma_semaphore, #tpu.memory_space<semaphore_mem>>) {add = true}
      %dma_wait3A_214 = arith.constant 0 : i32
      %dma_wait3A_215 = arith.constant 0 : i32
      %dma_wait3A_216 = arith.constant 0 : i32
      %dma_wait3A_217 = tpu.memref_slice %arg7[%dma_wait3A_215, %dma_wait3A_216] : memref<512x64xf32, #tpu.memory_space<vmem>> -> memref<128x64xf32, #tpu.memory_space<vmem>>
      %dma_wait3A_218 = arith.constant 0 : i32
      %dma_wait3A_219 = tpu.memref_slice %arg6[%dma_wait3A_214, %dma_wait3A_218] : memref<4x128xi32, #tpu.memory_space<vmem>> -> memref<1x128xi32, #tpu.memory_space<vmem>>
      %dma_wait3A_220 = tpu.memref_squeeze %dma_wait3A_219 : memref<1x128xi32, #tpu.memory_space<vmem>> -> memref<128xi32, #tpu.memory_space<vmem>>
      %dma_wait3A_221 = arith.constant 0 : i32
      %dma_wait3A_222 = arith.constant 0 : i32
      %dma_wait3A_223 = tpu.memref_slice %arg5[%dma_wait3A_221, %dma_wait3A_222] : memref<10000x64xf32, #tpu.memory_space<vmem_shared>> -> memref<10000x64xf32, #tpu.memory_space<vmem_shared>>
      tpu.wait_indirect_dma semaphore(%arg15 : memref<!tpu.dma_semaphore, #tpu.memory_space<semaphore_mem>>) src(%dma_wait3A_217 : memref<128x64xf32, #tpu.memory_space<vmem>>) dst(%dma_wait3A_223 : memref<10000x64xf32, #tpu.memory_space<vmem_shared>>)
      %dma_wait3A_224 = arith.constant 1 : i32
      %dma_wait3A_225 = arith.constant 128 : i32
      %dma_wait3A_226 = arith.constant 0 : i32
      %dma_wait3A_227 = tpu.memref_slice %arg7[%dma_wait3A_225, %dma_wait3A_226] : memref<512x64xf32, #tpu.memory_space<vmem>> -> memref<128x64xf32, #tpu.memory_space<vmem>>
      %dma_wait3A_228 = arith.constant 0 : i32
      %dma_wait3A_229 = tpu.memref_slice %arg6[%dma_wait3A_224, %dma_wait3A_228] : memref<4x128xi32, #tpu.memory_space<vmem>> -> memref<1x128xi32, #tpu.memory_space<vmem>>
      %dma_wait3A_230 = tpu.memref_squeeze %dma_wait3A_229 : memref<1x128xi32, #tpu.memory_space<vmem>> -> memref<128xi32, #tpu.memory_space<vmem>>
      %dma_wait3A_231 = arith.constant 0 : i32
      %dma_wait3A_232 = arith.constant 0 : i32
      %dma_wait3A_233 = tpu.memref_slice %arg5[%dma_wait3A_231, %dma_wait3A_232] : memref<10000x64xf32, #tpu.memory_space<vmem_shared>> -> memref<10000x64xf32, #tpu.memory_space<vmem_shared>>
      tpu.wait_indirect_dma semaphore(%arg15 : memref<!tpu.dma_semaphore, #tpu.memory_space<semaphore_mem>>) src(%dma_wait3A_227 : memref<128x64xf32, #tpu.memory_space<vmem>>) dst(%dma_wait3A_233 : memref<10000x64xf32, #tpu.memory_space<vmem_shared>>)
      %dma_wait3A_234 = arith.constant 2 : i32
      %dma_wait3A_235 = arith.constant 256 : i32
      %dma_wait3A_236 = arith.constant 0 : i32
      %dma_wait3A_237 = tpu.memref_slice %arg7[%dma_wait3A_235, %dma_wait3A_236] : memref<512x64xf32, #tpu.memory_space<vmem>> -> memref<128x64xf32, #tpu.memory_space<vmem>>
      %dma_wait3A_238 = arith.constant 0 : i32
      %dma_wait3A_239 = tpu.memref_slice %arg6[%dma_wait3A_234, %dma_wait3A_238] : memref<4x128xi32, #tpu.memory_space<vmem>> -> memref<1x128xi32, #tpu.memory_space<vmem>>
      %dma_wait3A_240 = tpu.memref_squeeze %dma_wait3A_239 : memref<1x128xi32, #tpu.memory_space<vmem>> -> memref<128xi32, #tpu.memory_space<vmem>>
      %dma_wait3A_241 = arith.constant 0 : i32
      %dma_wait3A_242 = arith.constant 0 : i32
      %dma_wait3A_243 = tpu.memref_slice %arg5[%dma_wait3A_241, %dma_wait3A_242] : memref<10000x64xf32, #tpu.memory_space<vmem_shared>> -> memref<10000x64xf32, #tpu.memory_space<vmem_shared>>
      tpu.wait_indirect_dma semaphore(%arg15 : memref<!tpu.dma_semaphore, #tpu.memory_space<semaphore_mem>>) src(%dma_wait3A_237 : memref<128x64xf32, #tpu.memory_space<vmem>>) dst(%dma_wait3A_243 : memref<10000x64xf32, #tpu.memory_space<vmem_shared>>)
      %dma_wait3A_244 = arith.constant 3 : i32
      %dma_wait3A_245 = arith.constant 384 : i32
      %dma_wait3A_246 = arith.constant 0 : i32
      %dma_wait3A_247 = tpu.memref_slice %arg7[%dma_wait3A_245, %dma_wait3A_246] : memref<512x64xf32, #tpu.memory_space<vmem>> -> memref<128x64xf32, #tpu.memory_space<vmem>>
      %dma_wait3A_248 = arith.constant 0 : i32
      %dma_wait3A_249 = tpu.memref_slice %arg6[%dma_wait3A_244, %dma_wait3A_248] : memref<4x128xi32, #tpu.memory_space<vmem>> -> memref<1x128xi32, #tpu.memory_space<vmem>>
      %dma_wait3A_250 = tpu.memref_squeeze %dma_wait3A_249 : memref<1x128xi32, #tpu.memory_space<vmem>> -> memref<128xi32, #tpu.memory_space<vmem>>
      %dma_wait3A_251 = arith.constant 0 : i32
      %dma_wait3A_252 = arith.constant 0 : i32
      %dma_wait3A_253 = tpu.memref_slice %arg5[%dma_wait3A_251, %dma_wait3A_252] : memref<10000x64xf32, #tpu.memory_space<vmem_shared>> -> memref<10000x64xf32, #tpu.memory_space<vmem_shared>>
      tpu.wait_indirect_dma semaphore(%arg15 : memref<!tpu.dma_semaphore, #tpu.memory_space<semaphore_mem>>) src(%dma_wait3A_247 : memref<128x64xf32, #tpu.memory_space<vmem>>) dst(%dma_wait3A_253 : memref<10000x64xf32, #tpu.memory_space<vmem_shared>>)
      %add3A_254 = arith.constant 2 : i32
      %add3A_255 = arith.addi %mul3A_161, %add3A_254 : i32
      %mul3A_256 = arith.constant 4 : i32
      %mul3A_257 = arith.muli %add3A_255, %mul3A_256 : i32
      %add3A_258 = arith.addi %mul3A_2, %mul3A_257 : i32
      %mul3A_259 = arith.constant 512 : i32
      %mul3A_260 = arith.muli %add3A_255, %mul3A_259 : i32
      %add3A_261 = arith.addi %mul3A_4, %mul3A_260 : i32
      %dma_start3A_262 = arith.constant 0 : i32
      %dma_start3A_263 = tpu.memref_slice %arg2[%add3A_258, %dma_start3A_262] : memref<2500x128xi32, #tpu.memory_space<hbm>> -> memref<4x128xi32, #tpu.memory_space<hbm>>
      %dma_start3A_264 = arith.constant 0 : i32
      %dma_start3A_265 = tpu.memref_slice %arg2[%add3A_258, %dma_start3A_264] : memref<2500x128xi32, #tpu.memory_space<hbm>> -> memref<4x128xi32, #tpu.memory_space<hbm>>
      tpu.enqueue_dma source(%dma_start3A_265 : memref<4x128xi32, #tpu.memory_space<hbm>>) target(%arg6 : memref<4x128xi32, #tpu.memory_space<vmem>>) target_semaphore(%arg11 : memref<!tpu.dma_semaphore, #tpu.memory_space<semaphore_mem>>)
      %dma_start3A_266 = tpu.memref_slice %arg3[%add3A_261, %mul3A_0] : memref<320000x128xf32, #tpu.memory_space<hbm>> -> memref<512x64xf32, #tpu.memory_space<hbm>>
      %dma_start3A_267 = tpu.memref_slice %arg3[%add3A_261, %mul3A_0] : memref<320000x128xf32, #tpu.memory_space<hbm>> -> memref<512x64xf32, #tpu.memory_space<hbm>>
      tpu.enqueue_dma source(%dma_start3A_267 : memref<512x64xf32, #tpu.memory_space<hbm>>) target(%arg7 : memref<512x64xf32, #tpu.memory_space<vmem>>) target_semaphore(%arg12 : memref<!tpu.dma_semaphore, #tpu.memory_space<semaphore_mem>>)
      %add3A_268 = arith.constant 1 : i32
      %add3A_269 = arith.addi %mul3A_161, %add3A_268 : i32
      %mul3A_270 = arith.constant 4 : i32
      %mul3A_271 = arith.muli %add3A_269, %mul3A_270 : i32
      %add3A_272 = arith.addi %mul3A_2, %mul3A_271 : i32
      %mul3A_273 = arith.constant 512 : i32
      %mul3A_274 = arith.muli %add3A_269, %mul3A_273 : i32
      %add3A_275 = arith.addi %mul3A_4, %mul3A_274 : i32
      %dma_wait3A_276 = arith.constant 0 : i32
      %dma_wait3A_277 = tpu.memref_slice %arg2[%add3A_272, %dma_wait3A_276] : memref<2500x128xi32, #tpu.memory_space<hbm>> -> memref<4x128xi32, #tpu.memory_space<hbm>>
      %dma_wait3A_278 = arith.constant 0 : i32
      %dma_wait3A_279 = tpu.memref_slice %arg2[%add3A_272, %dma_wait3A_278] : memref<2500x128xi32, #tpu.memory_space<hbm>> -> memref<4x128xi32, #tpu.memory_space<hbm>>
      tpu.wait_dma2 semaphore(%arg13 : memref<!tpu.dma_semaphore, #tpu.memory_space<semaphore_mem>>) src(%dma_wait3A_279 : memref<4x128xi32, #tpu.memory_space<hbm>>) dst(%arg8 : memref<4x128xi32, #tpu.memory_space<vmem>>)
      %dma_wait3A_280 = tpu.memref_slice %arg3[%add3A_275, %mul3A_0] : memref<320000x128xf32, #tpu.memory_space<hbm>> -> memref<512x64xf32, #tpu.memory_space<hbm>>
      %dma_wait3A_281 = tpu.memref_slice %arg3[%add3A_275, %mul3A_0] : memref<320000x128xf32, #tpu.memory_space<hbm>> -> memref<512x64xf32, #tpu.memory_space<hbm>>
      tpu.wait_dma2 semaphore(%arg14 : memref<!tpu.dma_semaphore, #tpu.memory_space<semaphore_mem>>) src(%dma_wait3A_281 : memref<512x64xf32, #tpu.memory_space<hbm>>) dst(%arg9 : memref<512x64xf32, #tpu.memory_space<vmem>>)
      %dma_start3A_282 = arith.constant 0 : i32
      %dma_start3A_283 = arith.constant 0 : i32
      %dma_start3A_284 = arith.constant 0 : i32
      %dma_start3A_285 = tpu.memref_slice %arg9[%dma_start3A_283, %dma_start3A_284] : memref<512x64xf32, #tpu.memory_space<vmem>> -> memref<128x64xf32, #tpu.memory_space<vmem>>
      %dma_start3A_286 = arith.constant 0 : i32
      %dma_start3A_287 = tpu.memref_slice %arg8[%dma_start3A_282, %dma_start3A_286] : memref<4x128xi32, #tpu.memory_space<vmem>> -> memref<1x128xi32, #tpu.memory_space<vmem>>
      %dma_start3A_288 = tpu.memref_squeeze %dma_start3A_287 : memref<1x128xi32, #tpu.memory_space<vmem>> -> memref<128xi32, #tpu.memory_space<vmem>>
      %dma_start3A_289 = arith.constant 0 : i32
      %dma_start3A_290 = arith.constant 0 : i32
      %dma_start3A_291 = tpu.memref_slice %arg5[%dma_start3A_289, %dma_start3A_290] : memref<10000x64xf32, #tpu.memory_space<vmem_shared>> -> memref<10000x64xf32, #tpu.memory_space<vmem_shared>>
      tpu.enqueue_indirect_dma source(%dma_start3A_285 : memref<128x64xf32, #tpu.memory_space<vmem>>) target(%dma_start3A_291 : memref<10000x64xf32, #tpu.memory_space<vmem_shared>>) offsets(%dma_start3A_288 : memref<128xi32, #tpu.memory_space<vmem>>) semaphore(%arg16 : memref<!tpu.dma_semaphore, #tpu.memory_space<semaphore_mem>>) {add = true}
      %dma_start3A_292 = arith.constant 1 : i32
      %dma_start3A_293 = arith.constant 128 : i32
      %dma_start3A_294 = arith.constant 0 : i32
      %dma_start3A_295 = tpu.memref_slice %arg9[%dma_start3A_293, %dma_start3A_294] : memref<512x64xf32, #tpu.memory_space<vmem>> -> memref<128x64xf32, #tpu.memory_space<vmem>>
      %dma_start3A_296 = arith.constant 0 : i32
      %dma_start3A_297 = tpu.memref_slice %arg8[%dma_start3A_292, %dma_start3A_296] : memref<4x128xi32, #tpu.memory_space<vmem>> -> memref<1x128xi32, #tpu.memory_space<vmem>>
      %dma_start3A_298 = tpu.memref_squeeze %dma_start3A_297 : memref<1x128xi32, #tpu.memory_space<vmem>> -> memref<128xi32, #tpu.memory_space<vmem>>
      %dma_start3A_299 = arith.constant 0 : i32
      %dma_start3A_300 = arith.constant 0 : i32
      %dma_start3A_301 = tpu.memref_slice %arg5[%dma_start3A_299, %dma_start3A_300] : memref<10000x64xf32, #tpu.memory_space<vmem_shared>> -> memref<10000x64xf32, #tpu.memory_space<vmem_shared>>
      tpu.enqueue_indirect_dma source(%dma_start3A_295 : memref<128x64xf32, #tpu.memory_space<vmem>>) target(%dma_start3A_301 : memref<10000x64xf32, #tpu.memory_space<vmem_shared>>) offsets(%dma_start3A_298 : memref<128xi32, #tpu.memory_space<vmem>>) semaphore(%arg16 : memref<!tpu.dma_semaphore, #tpu.memory_space<semaphore_mem>>) {add = true}
      %dma_start3A_302 = arith.constant 2 : i32
      %dma_start3A_303 = arith.constant 256 : i32
      %dma_start3A_304 = arith.constant 0 : i32
      %dma_start3A_305 = tpu.memref_slice %arg9[%dma_start3A_303, %dma_start3A_304] : memref<512x64xf32, #tpu.memory_space<vmem>> -> memref<128x64xf32, #tpu.memory_space<vmem>>
      %dma_start3A_306 = arith.constant 0 : i32
      %dma_start3A_307 = tpu.memref_slice %arg8[%dma_start3A_302, %dma_start3A_306] : memref<4x128xi32, #tpu.memory_space<vmem>> -> memref<1x128xi32, #tpu.memory_space<vmem>>
      %dma_start3A_308 = tpu.memref_squeeze %dma_start3A_307 : memref<1x128xi32, #tpu.memory_space<vmem>> -> memref<128xi32, #tpu.memory_space<vmem>>
      %dma_start3A_309 = arith.constant 0 : i32
      %dma_start3A_310 = arith.constant 0 : i32
      %dma_start3A_311 = tpu.memref_slice %arg5[%dma_start3A_309, %dma_start3A_310] : memref<10000x64xf32, #tpu.memory_space<vmem_shared>> -> memref<10000x64xf32, #tpu.memory_space<vmem_shared>>
      tpu.enqueue_indirect_dma source(%dma_start3A_305 : memref<128x64xf32, #tpu.memory_space<vmem>>) target(%dma_start3A_311 : memref<10000x64xf32, #tpu.memory_space<vmem_shared>>) offsets(%dma_start3A_308 : memref<128xi32, #tpu.memory_space<vmem>>) semaphore(%arg16 : memref<!tpu.dma_semaphore, #tpu.memory_space<semaphore_mem>>) {add = true}
      %dma_start3A_312 = arith.constant 3 : i32
      %dma_start3A_313 = arith.constant 384 : i32
      %dma_start3A_314 = arith.constant 0 : i32
      %dma_start3A_315 = tpu.memref_slice %arg9[%dma_start3A_313, %dma_start3A_314] : memref<512x64xf32, #tpu.memory_space<vmem>> -> memref<128x64xf32, #tpu.memory_space<vmem>>
      %dma_start3A_316 = arith.constant 0 : i32
      %dma_start3A_317 = tpu.memref_slice %arg8[%dma_start3A_312, %dma_start3A_316] : memref<4x128xi32, #tpu.memory_space<vmem>> -> memref<1x128xi32, #tpu.memory_space<vmem>>
      %dma_start3A_318 = tpu.memref_squeeze %dma_start3A_317 : memref<1x128xi32, #tpu.memory_space<vmem>> -> memref<128xi32, #tpu.memory_space<vmem>>
      %dma_start3A_319 = arith.constant 0 : i32
      %dma_start3A_320 = arith.constant 0 : i32
      %dma_start3A_321 = tpu.memref_slice %arg5[%dma_start3A_319, %dma_start3A_320] : memref<10000x64xf32, #tpu.memory_space<vmem_shared>> -> memref<10000x64xf32, #tpu.memory_space<vmem_shared>>
      tpu.enqueue_indirect_dma source(%dma_start3A_315 : memref<128x64xf32, #tpu.memory_space<vmem>>) target(%dma_start3A_321 : memref<10000x64xf32, #tpu.memory_space<vmem_shared>>) offsets(%dma_start3A_318 : memref<128xi32, #tpu.memory_space<vmem>>) semaphore(%arg16 : memref<!tpu.dma_semaphore, #tpu.memory_space<semaphore_mem>>) {add = true}
      %dma_wait3A_322 = arith.constant 0 : i32
      %dma_wait3A_323 = arith.constant 0 : i32
      %dma_wait3A_324 = arith.constant 0 : i32
      %dma_wait3A_325 = tpu.memref_slice %arg9[%dma_wait3A_323, %dma_wait3A_324] : memref<512x64xf32, #tpu.memory_space<vmem>> -> memref<128x64xf32, #tpu.memory_space<vmem>>
      %dma_wait3A_326 = arith.constant 0 : i32
      %dma_wait3A_327 = tpu.memref_slice %arg8[%dma_wait3A_322, %dma_wait3A_326] : memref<4x128xi32, #tpu.memory_space<vmem>> -> memref<1x128xi32, #tpu.memory_space<vmem>>
      %dma_wait3A_328 = tpu.memref_squeeze %dma_wait3A_327 : memref<1x128xi32, #tpu.memory_space<vmem>> -> memref<128xi32, #tpu.memory_space<vmem>>
      %dma_wait3A_329 = arith.constant 0 : i32
      %dma_wait3A_330 = arith.constant 0 : i32
      %dma_wait3A_331 = tpu.memref_slice %arg5[%dma_wait3A_329, %dma_wait3A_330] : memref<10000x64xf32, #tpu.memory_space<vmem_shared>> -> memref<10000x64xf32, #tpu.memory_space<vmem_shared>>
      tpu.wait_indirect_dma semaphore(%arg16 : memref<!tpu.dma_semaphore, #tpu.memory_space<semaphore_mem>>) src(%dma_wait3A_325 : memref<128x64xf32, #tpu.memory_space<vmem>>) dst(%dma_wait3A_331 : memref<10000x64xf32, #tpu.memory_space<vmem_shared>>)
      %dma_wait3A_332 = arith.constant 1 : i32
      %dma_wait3A_333 = arith.constant 128 : i32
      %dma_wait3A_334 = arith.constant 0 : i32
      %dma_wait3A_335 = tpu.memref_slice %arg9[%dma_wait3A_333, %dma_wait3A_334] : memref<512x64xf32, #tpu.memory_space<vmem>> -> memref<128x64xf32, #tpu.memory_space<vmem>>
      %dma_wait3A_336 = arith.constant 0 : i32
      %dma_wait3A_337 = tpu.memref_slice %arg8[%dma_wait3A_332, %dma_wait3A_336] : memref<4x128xi32, #tpu.memory_space<vmem>> -> memref<1x128xi32, #tpu.memory_space<vmem>>
      %dma_wait3A_338 = tpu.memref_squeeze %dma_wait3A_337 : memref<1x128xi32, #tpu.memory_space<vmem>> -> memref<128xi32, #tpu.memory_space<vmem>>
      %dma_wait3A_339 = arith.constant 0 : i32
      %dma_wait3A_340 = arith.constant 0 : i32
      %dma_wait3A_341 = tpu.memref_slice %arg5[%dma_wait3A_339, %dma_wait3A_340] : memref<10000x64xf32, #tpu.memory_space<vmem_shared>> -> memref<10000x64xf32, #tpu.memory_space<vmem_shared>>
      tpu.wait_indirect_dma semaphore(%arg16 : memref<!tpu.dma_semaphore, #tpu.memory_space<semaphore_mem>>) src(%dma_wait3A_335 : memref<128x64xf32, #tpu.memory_space<vmem>>) dst(%dma_wait3A_341 : memref<10000x64xf32, #tpu.memory_space<vmem_shared>>)
      %dma_wait3A_342 = arith.constant 2 : i32
      %dma_wait3A_343 = arith.constant 256 : i32
      %dma_wait3A_344 = arith.constant 0 : i32
      %dma_wait3A_345 = tpu.memref_slice %arg9[%dma_wait3A_343, %dma_wait3A_344] : memref<512x64xf32, #tpu.memory_space<vmem>> -> memref<128x64xf32, #tpu.memory_space<vmem>>
      %dma_wait3A_346 = arith.constant 0 : i32
      %dma_wait3A_347 = tpu.memref_slice %arg8[%dma_wait3A_342, %dma_wait3A_346] : memref<4x128xi32, #tpu.memory_space<vmem>> -> memref<1x128xi32, #tpu.memory_space<vmem>>
      %dma_wait3A_348 = tpu.memref_squeeze %dma_wait3A_347 : memref<1x128xi32, #tpu.memory_space<vmem>> -> memref<128xi32, #tpu.memory_space<vmem>>
      %dma_wait3A_349 = arith.constant 0 : i32
      %dma_wait3A_350 = arith.constant 0 : i32
      %dma_wait3A_351 = tpu.memref_slice %arg5[%dma_wait3A_349, %dma_wait3A_350] : memref<10000x64xf32, #tpu.memory_space<vmem_shared>> -> memref<10000x64xf32, #tpu.memory_space<vmem_shared>>
      tpu.wait_indirect_dma semaphore(%arg16 : memref<!tpu.dma_semaphore, #tpu.memory_space<semaphore_mem>>) src(%dma_wait3A_345 : memref<128x64xf32, #tpu.memory_space<vmem>>) dst(%dma_wait3A_351 : memref<10000x64xf32, #tpu.memory_space<vmem_shared>>)
      %dma_wait3A_352 = arith.constant 3 : i32
      %dma_wait3A_353 = arith.constant 384 : i32
      %dma_wait3A_354 = arith.constant 0 : i32
      %dma_wait3A_355 = tpu.memref_slice %arg9[%dma_wait3A_353, %dma_wait3A_354] : memref<512x64xf32, #tpu.memory_space<vmem>> -> memref<128x64xf32, #tpu.memory_space<vmem>>
      %dma_wait3A_356 = arith.constant 0 : i32
      %dma_wait3A_357 = tpu.memref_slice %arg8[%dma_wait3A_352, %dma_wait3A_356] : memref<4x128xi32, #tpu.memory_space<vmem>> -> memref<1x128xi32, #tpu.memory_space<vmem>>
      %dma_wait3A_358 = tpu.memref_squeeze %dma_wait3A_357 : memref<1x128xi32, #tpu.memory_space<vmem>> -> memref<128xi32, #tpu.memory_space<vmem>>
      %dma_wait3A_359 = arith.constant 0 : i32
      %dma_wait3A_360 = arith.constant 0 : i32
      %dma_wait3A_361 = tpu.memref_slice %arg5[%dma_wait3A_359, %dma_wait3A_360] : memref<10000x64xf32, #tpu.memory_space<vmem_shared>> -> memref<10000x64xf32, #tpu.memory_space<vmem_shared>>
      tpu.wait_indirect_dma semaphore(%arg16 : memref<!tpu.dma_semaphore, #tpu.memory_space<semaphore_mem>>) src(%dma_wait3A_355 : memref<128x64xf32, #tpu.memory_space<vmem>>) dst(%dma_wait3A_361 : memref<10000x64xf32, #tpu.memory_space<vmem_shared>>)
      %add3A_362 = arith.constant 3 : i32
      %add3A_363 = arith.addi %mul3A_161, %add3A_362 : i32
      %lt3A_364 = arith.constant 39 : i32
      %lt3A_365 = arith.cmpi slt, %add3A_363, %lt3A_364 : i32
      %convert_element_type3A_366 = arith.extui %lt3A_365 : i1 to i32
      %cond3A_367 = arith.constant 0 : i32
      %cond3A_368 = arith.cmpi ne, %convert_element_type3A_366, %cond3A_367 : i32
      scf.if %cond3A_368 {
        %add3A_369 = arith.constant 3 : i32
        %add3A_370 = arith.addi %mul3A_161, %add3A_369 : i32
        %mul3A_371 = arith.constant 4 : i32
        %mul3A_372 = arith.muli %add3A_370, %mul3A_371 : i32
        %add3A_373 = arith.addi %mul3A_2, %mul3A_372 : i32
        %mul3A_374 = arith.constant 512 : i32
        %mul3A_375 = arith.muli %add3A_370, %mul3A_374 : i32
        %add3A_376 = arith.addi %mul3A_4, %mul3A_375 : i32
        %dma_start3A_377 = arith.constant 0 : i32
        %dma_start3A_378 = tpu.memref_slice %arg2[%add3A_373, %dma_start3A_377] : memref<2500x128xi32, #tpu.memory_space<hbm>> -> memref<4x128xi32, #tpu.memory_space<hbm>>
        %dma_start3A_379 = arith.constant 0 : i32
        %dma_start3A_380 = tpu.memref_slice %arg2[%add3A_373, %dma_start3A_379] : memref<2500x128xi32, #tpu.memory_space<hbm>> -> memref<4x128xi32, #tpu.memory_space<hbm>>
        tpu.enqueue_dma source(%dma_start3A_380 : memref<4x128xi32, #tpu.memory_space<hbm>>) target(%arg8 : memref<4x128xi32, #tpu.memory_space<vmem>>) target_semaphore(%arg13 : memref<!tpu.dma_semaphore, #tpu.memory_space<semaphore_mem>>)
        %dma_start3A_381 = tpu.memref_slice %arg3[%add3A_376, %mul3A_0] : memref<320000x128xf32, #tpu.memory_space<hbm>> -> memref<512x64xf32, #tpu.memory_space<hbm>>
        %dma_start3A_382 = tpu.memref_slice %arg3[%add3A_376, %mul3A_0] : memref<320000x128xf32, #tpu.memory_space<hbm>> -> memref<512x64xf32, #tpu.memory_space<hbm>>
        tpu.enqueue_dma source(%dma_start3A_382 : memref<512x64xf32, #tpu.memory_space<hbm>>) target(%arg9 : memref<512x64xf32, #tpu.memory_space<vmem>>) target_semaphore(%arg14 : memref<!tpu.dma_semaphore, #tpu.memory_space<semaphore_mem>>)
      } else {
      }
    }
    %scan3A_40 = arith.constant 19 : i32
    %add3A_41 = arith.constant 152 : i32
    %add3A_42 = arith.addi %mul3A_2, %add3A_41 : i32
    %add3A_43 = arith.constant 19456 : i32
    %add3A_44 = arith.addi %mul3A_4, %add3A_43 : i32
    %dma_wait3A = arith.constant 0 : i32
    %dma_wait3A_45 = tpu.memref_slice %arg2[%add3A_42, %dma_wait3A] : memref<2500x128xi32, #tpu.memory_space<hbm>> -> memref<4x128xi32, #tpu.memory_space<hbm>>
    %dma_wait3A_46 = arith.constant 0 : i32
    %dma_wait3A_47 = tpu.memref_slice %arg2[%add3A_42, %dma_wait3A_46] : memref<2500x128xi32, #tpu.memory_space<hbm>> -> memref<4x128xi32, #tpu.memory_space<hbm>>
    tpu.wait_dma2 semaphore(%arg11 : memref<!tpu.dma_semaphore, #tpu.memory_space<semaphore_mem>>) src(%dma_wait3A_47 : memref<4x128xi32, #tpu.memory_space<hbm>>) dst(%arg6 : memref<4x128xi32, #tpu.memory_space<vmem>>)
    %dma_wait3A_48 = tpu.memref_slice %arg3[%add3A_44, %mul3A_0] : memref<320000x128xf32, #tpu.memory_space<hbm>> -> memref<512x64xf32, #tpu.memory_space<hbm>>
    %dma_wait3A_49 = tpu.memref_slice %arg3[%add3A_44, %mul3A_0] : memref<320000x128xf32, #tpu.memory_space<hbm>> -> memref<512x64xf32, #tpu.memory_space<hbm>>
    tpu.wait_dma2 semaphore(%arg12 : memref<!tpu.dma_semaphore, #tpu.memory_space<semaphore_mem>>) src(%dma_wait3A_49 : memref<512x64xf32, #tpu.memory_space<hbm>>) dst(%arg7 : memref<512x64xf32, #tpu.memory_space<vmem>>)
    %dma_start3A_50 = arith.constant 0 : i32
    %dma_start3A_51 = arith.constant 0 : i32
    %dma_start3A_52 = arith.constant 0 : i32
    %dma_start3A_53 = tpu.memref_slice %arg7[%dma_start3A_51, %dma_start3A_52] : memref<512x64xf32, #tpu.memory_space<vmem>> -> memref<128x64xf32, #tpu.memory_space<vmem>>
    %dma_start3A_54 = arith.constant 0 : i32
    %dma_start3A_55 = tpu.memref_slice %arg6[%dma_start3A_50, %dma_start3A_54] : memref<4x128xi32, #tpu.memory_space<vmem>> -> memref<1x128xi32, #tpu.memory_space<vmem>>
    %dma_start3A_56 = tpu.memref_squeeze %dma_start3A_55 : memref<1x128xi32, #tpu.memory_space<vmem>> -> memref<128xi32, #tpu.memory_space<vmem>>
    %dma_start3A_57 = arith.constant 0 : i32
    %dma_start3A_58 = arith.constant 0 : i32
    %dma_start3A_59 = tpu.memref_slice %arg5[%dma_start3A_57, %dma_start3A_58] : memref<10000x64xf32, #tpu.memory_space<vmem_shared>> -> memref<10000x64xf32, #tpu.memory_space<vmem_shared>>
    tpu.enqueue_indirect_dma source(%dma_start3A_53 : memref<128x64xf32, #tpu.memory_space<vmem>>) target(%dma_start3A_59 : memref<10000x64xf32, #tpu.memory_space<vmem_shared>>) offsets(%dma_start3A_56 : memref<128xi32, #tpu.memory_space<vmem>>) semaphore(%arg15 : memref<!tpu.dma_semaphore, #tpu.memory_space<semaphore_mem>>) {add = true}
    %dma_start3A_60 = arith.constant 1 : i32
    %dma_start3A_61 = arith.constant 128 : i32
    %dma_start3A_62 = arith.constant 0 : i32
    %dma_start3A_63 = tpu.memref_slice %arg7[%dma_start3A_61, %dma_start3A_62] : memref<512x64xf32, #tpu.memory_space<vmem>> -> memref<128x64xf32, #tpu.memory_space<vmem>>
    %dma_start3A_64 = arith.constant 0 : i32
    %dma_start3A_65 = tpu.memref_slice %arg6[%dma_start3A_60, %dma_start3A_64] : memref<4x128xi32, #tpu.memory_space<vmem>> -> memref<1x128xi32, #tpu.memory_space<vmem>>
    %dma_start3A_66 = tpu.memref_squeeze %dma_start3A_65 : memref<1x128xi32, #tpu.memory_space<vmem>> -> memref<128xi32, #tpu.memory_space<vmem>>
    %dma_start3A_67 = arith.constant 0 : i32
    %dma_start3A_68 = arith.constant 0 : i32
    %dma_start3A_69 = tpu.memref_slice %arg5[%dma_start3A_67, %dma_start3A_68] : memref<10000x64xf32, #tpu.memory_space<vmem_shared>> -> memref<10000x64xf32, #tpu.memory_space<vmem_shared>>
    tpu.enqueue_indirect_dma source(%dma_start3A_63 : memref<128x64xf32, #tpu.memory_space<vmem>>) target(%dma_start3A_69 : memref<10000x64xf32, #tpu.memory_space<vmem_shared>>) offsets(%dma_start3A_66 : memref<128xi32, #tpu.memory_space<vmem>>) semaphore(%arg15 : memref<!tpu.dma_semaphore, #tpu.memory_space<semaphore_mem>>) {add = true}
    %dma_start3A_70 = arith.constant 2 : i32
    %dma_start3A_71 = arith.constant 256 : i32
    %dma_start3A_72 = arith.constant 0 : i32
    %dma_start3A_73 = tpu.memref_slice %arg7[%dma_start3A_71, %dma_start3A_72] : memref<512x64xf32, #tpu.memory_space<vmem>> -> memref<128x64xf32, #tpu.memory_space<vmem>>
    %dma_start3A_74 = arith.constant 0 : i32
    %dma_start3A_75 = tpu.memref_slice %arg6[%dma_start3A_70, %dma_start3A_74] : memref<4x128xi32, #tpu.memory_space<vmem>> -> memref<1x128xi32, #tpu.memory_space<vmem>>
    %dma_start3A_76 = tpu.memref_squeeze %dma_start3A_75 : memref<1x128xi32, #tpu.memory_space<vmem>> -> memref<128xi32, #tpu.memory_space<vmem>>
    %dma_start3A_77 = arith.constant 0 : i32
    %dma_start3A_78 = arith.constant 0 : i32
    %dma_start3A_79 = tpu.memref_slice %arg5[%dma_start3A_77, %dma_start3A_78] : memref<10000x64xf32, #tpu.memory_space<vmem_shared>> -> memref<10000x64xf32, #tpu.memory_space<vmem_shared>>
    tpu.enqueue_indirect_dma source(%dma_start3A_73 : memref<128x64xf32, #tpu.memory_space<vmem>>) target(%dma_start3A_79 : memref<10000x64xf32, #tpu.memory_space<vmem_shared>>) offsets(%dma_start3A_76 : memref<128xi32, #tpu.memory_space<vmem>>) semaphore(%arg15 : memref<!tpu.dma_semaphore, #tpu.memory_space<semaphore_mem>>) {add = true}
    %dma_start3A_80 = arith.constant 3 : i32
    %dma_start3A_81 = arith.constant 384 : i32
    %dma_start3A_82 = arith.constant 0 : i32
    %dma_start3A_83 = tpu.memref_slice %arg7[%dma_start3A_81, %dma_start3A_82] : memref<512x64xf32, #tpu.memory_space<vmem>> -> memref<128x64xf32, #tpu.memory_space<vmem>>
    %dma_start3A_84 = arith.constant 0 : i32
    %dma_start3A_85 = tpu.memref_slice %arg6[%dma_start3A_80, %dma_start3A_84] : memref<4x128xi32, #tpu.memory_space<vmem>> -> memref<1x128xi32, #tpu.memory_space<vmem>>
    %dma_start3A_86 = tpu.memref_squeeze %dma_start3A_85 : memref<1x128xi32, #tpu.memory_space<vmem>> -> memref<128xi32, #tpu.memory_space<vmem>>
    %dma_start3A_87 = arith.constant 0 : i32
    %dma_start3A_88 = arith.constant 0 : i32
    %dma_start3A_89 = tpu.memref_slice %arg5[%dma_start3A_87, %dma_start3A_88] : memref<10000x64xf32, #tpu.memory_space<vmem_shared>> -> memref<10000x64xf32, #tpu.memory_space<vmem_shared>>
    tpu.enqueue_indirect_dma source(%dma_start3A_83 : memref<128x64xf32, #tpu.memory_space<vmem>>) target(%dma_start3A_89 : memref<10000x64xf32, #tpu.memory_space<vmem_shared>>) offsets(%dma_start3A_86 : memref<128xi32, #tpu.memory_space<vmem>>) semaphore(%arg15 : memref<!tpu.dma_semaphore, #tpu.memory_space<semaphore_mem>>) {add = true}
    %dma_wait3A_90 = arith.constant 0 : i32
    %dma_wait3A_91 = arith.constant 0 : i32
    %dma_wait3A_92 = arith.constant 0 : i32
    %dma_wait3A_93 = tpu.memref_slice %arg7[%dma_wait3A_91, %dma_wait3A_92] : memref<512x64xf32, #tpu.memory_space<vmem>> -> memref<128x64xf32, #tpu.memory_space<vmem>>
    %dma_wait3A_94 = arith.constant 0 : i32
    %dma_wait3A_95 = tpu.memref_slice %arg6[%dma_wait3A_90, %dma_wait3A_94] : memref<4x128xi32, #tpu.memory_space<vmem>> -> memref<1x128xi32, #tpu.memory_space<vmem>>
    %dma_wait3A_96 = tpu.memref_squeeze %dma_wait3A_95 : memref<1x128xi32, #tpu.memory_space<vmem>> -> memref<128xi32, #tpu.memory_space<vmem>>
    %dma_wait3A_97 = arith.constant 0 : i32
    %dma_wait3A_98 = arith.constant 0 : i32
    %dma_wait3A_99 = tpu.memref_slice %arg5[%dma_wait3A_97, %dma_wait3A_98] : memref<10000x64xf32, #tpu.memory_space<vmem_shared>> -> memref<10000x64xf32, #tpu.memory_space<vmem_shared>>
    tpu.wait_indirect_dma semaphore(%arg15 : memref<!tpu.dma_semaphore, #tpu.memory_space<semaphore_mem>>) src(%dma_wait3A_93 : memref<128x64xf32, #tpu.memory_space<vmem>>) dst(%dma_wait3A_99 : memref<10000x64xf32, #tpu.memory_space<vmem_shared>>)
    %dma_wait3A_100 = arith.constant 1 : i32
    %dma_wait3A_101 = arith.constant 128 : i32
    %dma_wait3A_102 = arith.constant 0 : i32
    %dma_wait3A_103 = tpu.memref_slice %arg7[%dma_wait3A_101, %dma_wait3A_102] : memref<512x64xf32, #tpu.memory_space<vmem>> -> memref<128x64xf32, #tpu.memory_space<vmem>>
    %dma_wait3A_104 = arith.constant 0 : i32
    %dma_wait3A_105 = tpu.memref_slice %arg6[%dma_wait3A_100, %dma_wait3A_104] : memref<4x128xi32, #tpu.memory_space<vmem>> -> memref<1x128xi32, #tpu.memory_space<vmem>>
    %dma_wait3A_106 = tpu.memref_squeeze %dma_wait3A_105 : memref<1x128xi32, #tpu.memory_space<vmem>> -> memref<128xi32, #tpu.memory_space<vmem>>
    %dma_wait3A_107 = arith.constant 0 : i32
    %dma_wait3A_108 = arith.constant 0 : i32
    %dma_wait3A_109 = tpu.memref_slice %arg5[%dma_wait3A_107, %dma_wait3A_108] : memref<10000x64xf32, #tpu.memory_space<vmem_shared>> -> memref<10000x64xf32, #tpu.memory_space<vmem_shared>>
    tpu.wait_indirect_dma semaphore(%arg15 : memref<!tpu.dma_semaphore, #tpu.memory_space<semaphore_mem>>) src(%dma_wait3A_103 : memref<128x64xf32, #tpu.memory_space<vmem>>) dst(%dma_wait3A_109 : memref<10000x64xf32, #tpu.memory_space<vmem_shared>>)
    %dma_wait3A_110 = arith.constant 2 : i32
    %dma_wait3A_111 = arith.constant 256 : i32
    %dma_wait3A_112 = arith.constant 0 : i32
    %dma_wait3A_113 = tpu.memref_slice %arg7[%dma_wait3A_111, %dma_wait3A_112] : memref<512x64xf32, #tpu.memory_space<vmem>> -> memref<128x64xf32, #tpu.memory_space<vmem>>
    %dma_wait3A_114 = arith.constant 0 : i32
    %dma_wait3A_115 = tpu.memref_slice %arg6[%dma_wait3A_110, %dma_wait3A_114] : memref<4x128xi32, #tpu.memory_space<vmem>> -> memref<1x128xi32, #tpu.memory_space<vmem>>
    %dma_wait3A_116 = tpu.memref_squeeze %dma_wait3A_115 : memref<1x128xi32, #tpu.memory_space<vmem>> -> memref<128xi32, #tpu.memory_space<vmem>>
    %dma_wait3A_117 = arith.constant 0 : i32
    %dma_wait3A_118 = arith.constant 0 : i32
    %dma_wait3A_119 = tpu.memref_slice %arg5[%dma_wait3A_117, %dma_wait3A_118] : memref<10000x64xf32, #tpu.memory_space<vmem_shared>> -> memref<10000x64xf32, #tpu.memory_space<vmem_shared>>
    tpu.wait_indirect_dma semaphore(%arg15 : memref<!tpu.dma_semaphore, #tpu.memory_space<semaphore_mem>>) src(%dma_wait3A_113 : memref<128x64xf32, #tpu.memory_space<vmem>>) dst(%dma_wait3A_119 : memref<10000x64xf32, #tpu.memory_space<vmem_shared>>)
    %dma_wait3A_120 = arith.constant 3 : i32
    %dma_wait3A_121 = arith.constant 384 : i32
    %dma_wait3A_122 = arith.constant 0 : i32
    %dma_wait3A_123 = tpu.memref_slice %arg7[%dma_wait3A_121, %dma_wait3A_122] : memref<512x64xf32, #tpu.memory_space<vmem>> -> memref<128x64xf32, #tpu.memory_space<vmem>>
    %dma_wait3A_124 = arith.constant 0 : i32
    %dma_wait3A_125 = tpu.memref_slice %arg6[%dma_wait3A_120, %dma_wait3A_124] : memref<4x128xi32, #tpu.memory_space<vmem>> -> memref<1x128xi32, #tpu.memory_space<vmem>>
    %dma_wait3A_126 = tpu.memref_squeeze %dma_wait3A_125 : memref<1x128xi32, #tpu.memory_space<vmem>> -> memref<128xi32, #tpu.memory_space<vmem>>
    %dma_wait3A_127 = arith.constant 0 : i32
    %dma_wait3A_128 = arith.constant 0 : i32
    %dma_wait3A_129 = tpu.memref_slice %arg5[%dma_wait3A_127, %dma_wait3A_128] : memref<10000x64xf32, #tpu.memory_space<vmem_shared>> -> memref<10000x64xf32, #tpu.memory_space<vmem_shared>>
    tpu.wait_indirect_dma semaphore(%arg15 : memref<!tpu.dma_semaphore, #tpu.memory_space<semaphore_mem>>) src(%dma_wait3A_123 : memref<128x64xf32, #tpu.memory_space<vmem>>) dst(%dma_wait3A_129 : memref<10000x64xf32, #tpu.memory_space<vmem_shared>>)
    %lt3A = arith.constant 4 : i32
    %lt3A_130 = arith.cmpi slt, %arg1, %lt3A : i32
    %convert_element_type3A = arith.extui %lt3A_130 : i1 to i32
    %cond3A = arith.constant 0 : i32
    %cond3A_131 = arith.cmpi ne, %convert_element_type3A, %cond3A : i32
    scf.if %cond3A_131 {
      %add3A_159 = arith.constant 2496 : i32
      %add3A_160 = arith.addi %add3A_159, %arg1 : i32
      %mul3A_161 = arith.constant 128 : i32
      %mul3A_162 = arith.muli %add3A_160, %mul3A_161 : i32
      "tpu.region"() ({
        %run_scoped3A_163 = tpu.sem_alloc : memref<!tpu.dma_semaphore, #tpu.memory_space<semaphore_mem>>
        %dma_start3A_164 = arith.constant 0 : i32
        %dma_start3A_165 = arith.constant 0 : i32
        %dma_start3A_166 = tpu.memref_slice %arg6[%dma_start3A_164, %dma_start3A_165] : memref<4x128xi32, #tpu.memory_space<vmem>> -> memref<1x128xi32, #tpu.memory_space<vmem>>
        %dma_start3A_167 = arith.constant 0 : i32
        %dma_start3A_168 = tpu.memref_slice %arg2[%add3A_160, %dma_start3A_167] : memref<2500x128xi32, #tpu.memory_space<hbm>> -> memref<1x128xi32, #tpu.memory_space<hbm>>
        %dma_start3A_169 = arith.constant 0 : i32
        %dma_start3A_170 = arith.constant 0 : i32
        %dma_start3A_171 = tpu.memref_slice %arg6[%dma_start3A_169, %dma_start3A_170] : memref<4x128xi32, #tpu.memory_space<vmem>> -> memref<1x128xi32, #tpu.memory_space<vmem>>
        %dma_start3A_172 = arith.constant 0 : i32
        %dma_start3A_173 = tpu.memref_slice %arg2[%add3A_160, %dma_start3A_172] : memref<2500x128xi32, #tpu.memory_space<hbm>> -> memref<1x128xi32, #tpu.memory_space<hbm>>
        tpu.enqueue_dma source(%dma_start3A_173 : memref<1x128xi32, #tpu.memory_space<hbm>>) target(%dma_start3A_171 : memref<1x128xi32, #tpu.memory_space<vmem>>) target_semaphore(%run_scoped3A_163 : memref<!tpu.dma_semaphore, #tpu.memory_space<semaphore_mem>>)
        %dma_wait3A_174 = arith.constant 0 : i32
        %dma_wait3A_175 = arith.constant 0 : i32
        %dma_wait3A_176 = tpu.memref_slice %arg6[%dma_wait3A_174, %dma_wait3A_175] : memref<4x128xi32, #tpu.memory_space<vmem>> -> memref<1x128xi32, #tpu.memory_space<vmem>>
        %dma_wait3A_177 = arith.constant 0 : i32
        %dma_wait3A_178 = tpu.memref_slice %arg2[%add3A_160, %dma_wait3A_177] : memref<2500x128xi32, #tpu.memory_space<hbm>> -> memref<1x128xi32, #tpu.memory_space<hbm>>
        %dma_wait3A_179 = arith.constant 0 : i32
        %dma_wait3A_180 = arith.constant 0 : i32
        %dma_wait3A_181 = tpu.memref_slice %arg6[%dma_wait3A_179, %dma_wait3A_180] : memref<4x128xi32, #tpu.memory_space<vmem>> -> memref<1x128xi32, #tpu.memory_space<vmem>>
        %dma_wait3A_182 = arith.constant 0 : i32
        %dma_wait3A_183 = tpu.memref_slice %arg2[%add3A_160, %dma_wait3A_182] : memref<2500x128xi32, #tpu.memory_space<hbm>> -> memref<1x128xi32, #tpu.memory_space<hbm>>
        tpu.wait_dma2 semaphore(%run_scoped3A_163 : memref<!tpu.dma_semaphore, #tpu.memory_space<semaphore_mem>>) src(%dma_wait3A_183 : memref<1x128xi32, #tpu.memory_space<hbm>>) dst(%dma_wait3A_181 : memref<1x128xi32, #tpu.memory_space<vmem>>)
        tpu.yield
      }) : () -> ()
      "tpu.region"() ({
        %run_scoped3A_163 = tpu.sem_alloc : memref<!tpu.dma_semaphore, #tpu.memory_space<semaphore_mem>>
        %dma_start3A_164 = arith.constant 0 : i32
        %dma_start3A_165 = arith.constant 0 : i32
        %dma_start3A_166 = tpu.memref_slice %arg7[%dma_start3A_164, %dma_start3A_165] : memref<512x64xf32, #tpu.memory_space<vmem>> -> memref<128x64xf32, #tpu.memory_space<vmem>>
        %dma_start3A_167 = tpu.memref_slice %arg3[%mul3A_162, %mul3A_0] : memref<320000x128xf32, #tpu.memory_space<hbm>> -> memref<128x64xf32, #tpu.memory_space<hbm>>
        %dma_start3A_168 = arith.constant 0 : i32
        %dma_start3A_169 = arith.constant 0 : i32
        %dma_start3A_170 = tpu.memref_slice %arg7[%dma_start3A_168, %dma_start3A_169] : memref<512x64xf32, #tpu.memory_space<vmem>> -> memref<128x64xf32, #tpu.memory_space<vmem>>
        %dma_start3A_171 = tpu.memref_slice %arg3[%mul3A_162, %mul3A_0] : memref<320000x128xf32, #tpu.memory_space<hbm>> -> memref<128x64xf32, #tpu.memory_space<hbm>>
        tpu.enqueue_dma source(%dma_start3A_171 : memref<128x64xf32, #tpu.memory_space<hbm>>) target(%dma_start3A_170 : memref<128x64xf32, #tpu.memory_space<vmem>>) target_semaphore(%run_scoped3A_163 : memref<!tpu.dma_semaphore, #tpu.memory_space<semaphore_mem>>)
        %dma_wait3A_172 = arith.constant 0 : i32
        %dma_wait3A_173 = arith.constant 0 : i32
        %dma_wait3A_174 = tpu.memref_slice %arg7[%dma_wait3A_172, %dma_wait3A_173] : memref<512x64xf32, #tpu.memory_space<vmem>> -> memref<128x64xf32, #tpu.memory_space<vmem>>
        %dma_wait3A_175 = tpu.memref_slice %arg3[%mul3A_162, %mul3A_0] : memref<320000x128xf32, #tpu.memory_space<hbm>> -> memref<128x64xf32, #tpu.memory_space<hbm>>
        %dma_wait3A_176 = arith.constant 0 : i32
        %dma_wait3A_177 = arith.constant 0 : i32
        %dma_wait3A_178 = tpu.memref_slice %arg7[%dma_wait3A_176, %dma_wait3A_177] : memref<512x64xf32, #tpu.memory_space<vmem>> -> memref<128x64xf32, #tpu.memory_space<vmem>>
        %dma_wait3A_179 = tpu.memref_slice %arg3[%mul3A_162, %mul3A_0] : memref<320000x128xf32, #tpu.memory_space<hbm>> -> memref<128x64xf32, #tpu.memory_space<hbm>>
        tpu.wait_dma2 semaphore(%run_scoped3A_163 : memref<!tpu.dma_semaphore, #tpu.memory_space<semaphore_mem>>) src(%dma_wait3A_179 : memref<128x64xf32, #tpu.memory_space<hbm>>) dst(%dma_wait3A_178 : memref<128x64xf32, #tpu.memory_space<vmem>>)
        tpu.yield
      }) : () -> ()
      %run_scoped3A = arith.constant 0 : i32
      "tpu.region"() ({
        %run_scoped3A_163 = tpu.sem_alloc : memref<!tpu.dma_semaphore, #tpu.memory_space<semaphore_mem>>
        %dma_start3A_164 = arith.constant 0 : i32
        %dma_start3A_165 = arith.constant 0 : i32
        %dma_start3A_166 = tpu.memref_slice %arg7[%dma_start3A_164, %dma_start3A_165] : memref<512x64xf32, #tpu.memory_space<vmem>> -> memref<128x64xf32, #tpu.memory_space<vmem>>
        %dma_start3A_167 = arith.constant 0 : i32
        %dma_start3A_168 = tpu.memref_slice %arg6[%run_scoped3A, %dma_start3A_167] : memref<4x128xi32, #tpu.memory_space<vmem>> -> memref<1x128xi32, #tpu.memory_space<vmem>>
        %dma_start3A_169 = tpu.memref_squeeze %dma_start3A_168 : memref<1x128xi32, #tpu.memory_space<vmem>> -> memref<128xi32, #tpu.memory_space<vmem>>
        %dma_start3A_170 = arith.constant 0 : i32
        %dma_start3A_171 = arith.constant 0 : i32
        %dma_start3A_172 = tpu.memref_slice %arg5[%dma_start3A_170, %dma_start3A_171] : memref<10000x64xf32, #tpu.memory_space<vmem_shared>> -> memref<10000x64xf32, #tpu.memory_space<vmem_shared>>
        tpu.enqueue_indirect_dma source(%dma_start3A_166 : memref<128x64xf32, #tpu.memory_space<vmem>>) target(%dma_start3A_172 : memref<10000x64xf32, #tpu.memory_space<vmem_shared>>) offsets(%dma_start3A_169 : memref<128xi32, #tpu.memory_space<vmem>>) semaphore(%run_scoped3A_163 : memref<!tpu.dma_semaphore, #tpu.memory_space<semaphore_mem>>) {add = true}
        %dma_wait3A_173 = arith.constant 0 : i32
        %dma_wait3A_174 = arith.constant 0 : i32
        %dma_wait3A_175 = tpu.memref_slice %arg7[%dma_wait3A_173, %dma_wait3A_174] : memref<512x64xf32, #tpu.memory_space<vmem>> -> memref<128x64xf32, #tpu.memory_space<vmem>>
        %dma_wait3A_176 = arith.constant 0 : i32
        %dma_wait3A_177 = tpu.memref_slice %arg6[%run_scoped3A, %dma_wait3A_176] : memref<4x128xi32, #tpu.memory_space<vmem>> -> memref<1x128xi32, #tpu.memory_space<vmem>>
        %dma_wait3A_178 = tpu.memref_squeeze %dma_wait3A_177 : memref<1x128xi32, #tpu.memory_space<vmem>> -> memref<128xi32, #tpu.memory_space<vmem>>
        %dma_wait3A_179 = arith.constant 0 : i32
        %dma_wait3A_180 = arith.constant 0 : i32
        %dma_wait3A_181 = tpu.memref_slice %arg5[%dma_wait3A_179, %dma_wait3A_180] : memref<10000x64xf32, #tpu.memory_space<vmem_shared>> -> memref<10000x64xf32, #tpu.memory_space<vmem_shared>>
        tpu.wait_indirect_dma semaphore(%run_scoped3A_163 : memref<!tpu.dma_semaphore, #tpu.memory_space<semaphore_mem>>) src(%dma_wait3A_175 : memref<128x64xf32, #tpu.memory_space<vmem>>) dst(%dma_wait3A_181 : memref<10000x64xf32, #tpu.memory_space<vmem_shared>>)
        tpu.yield
      }) : () -> ()
    } else {
    }
    %barrier3A_132 = arith.constant 0 : index
    tpu.barrier barrier_id(%barrier3A_132)
    %mul3A_133 = arith.constant 625 : i32
    %mul3A_134 = arith.muli %arg1, %mul3A_133 : i32
    "tpu.region"() ({
      %run_scoped3A = tpu.sem_alloc : memref<!tpu.dma_semaphore, #tpu.memory_space<semaphore_mem>>
      %dma_start3A_159 = arith.constant 0 : i32
      %dma_start3A_160 = tpu.memref_slice %arg5[%mul3A_134, %dma_start3A_159] : memref<10000x64xf32, #tpu.memory_space<vmem_shared>> -> memref<512x64xf32, #tpu.memory_space<vmem_shared>>
      %dma_start3A_161 = arith.constant 0 : i32
      %dma_start3A_162 = tpu.memref_slice %arg5[%mul3A_134, %dma_start3A_161] : memref<10000x64xf32, #tpu.memory_space<vmem_shared>> -> memref<512x64xf32, #tpu.memory_space<vmem_shared>>
      tpu.enqueue_dma source(%dma_start3A_162 : memref<512x64xf32, #tpu.memory_space<vmem_shared>>) target(%arg7 : memref<512x64xf32, #tpu.memory_space<vmem>>) target_semaphore(%run_scoped3A : memref<!tpu.dma_semaphore, #tpu.memory_space<semaphore_mem>>)
      %dma_wait3A_163 = arith.constant 0 : i32
      %dma_wait3A_164 = tpu.memref_slice %arg5[%mul3A_134, %dma_wait3A_163] : memref<10000x64xf32, #tpu.memory_space<vmem_shared>> -> memref<512x64xf32, #tpu.memory_space<vmem_shared>>
      %dma_wait3A_165 = arith.constant 0 : i32
      %dma_wait3A_166 = tpu.memref_slice %arg5[%mul3A_134, %dma_wait3A_165] : memref<10000x64xf32, #tpu.memory_space<vmem_shared>> -> memref<512x64xf32, #tpu.memory_space<vmem_shared>>
      tpu.wait_dma2 semaphore(%run_scoped3A : memref<!tpu.dma_semaphore, #tpu.memory_space<semaphore_mem>>) src(%dma_wait3A_166 : memref<512x64xf32, #tpu.memory_space<vmem_shared>>) dst(%arg7 : memref<512x64xf32, #tpu.memory_space<vmem>>)
      tpu.yield
    }) : () -> ()
    %dma_start3A_135 = tpu.memref_slice %arg4[%mul3A_134, %mul3A_0] : memref<10000x128xf32, #tpu.memory_space<hbm>> -> memref<512x64xf32, #tpu.memory_space<hbm>>
    %dma_start3A_136 = tpu.memref_slice %arg4[%mul3A_134, %mul3A_0] : memref<10000x128xf32, #tpu.memory_space<hbm>> -> memref<512x64xf32, #tpu.memory_space<hbm>>
    tpu.enqueue_dma source(%arg7 : memref<512x64xf32, #tpu.memory_space<vmem>>) target(%dma_start3A_136 : memref<512x64xf32, #tpu.memory_space<hbm>>) target_semaphore(%arg12 : memref<!tpu.dma_semaphore, #tpu.memory_space<semaphore_mem>>)
    %add3A_137 = arith.constant 512 : i32
    %add3A_138 = arith.addi %mul3A_134, %add3A_137 : i32
    "tpu.region"() ({
      %run_scoped3A = tpu.sem_alloc : memref<!tpu.dma_semaphore, #tpu.memory_space<semaphore_mem>>
      %dma_start3A_159 = arith.constant 0 : i32
      %dma_start3A_160 = arith.constant 0 : i32
      %dma_start3A_161 = tpu.memref_slice %arg10[%dma_start3A_159, %dma_start3A_160] : memref<125x64xf32, #tpu.memory_space<vmem>> -> memref<113x64xf32, #tpu.memory_space<vmem>>
      %dma_start3A_162 = arith.constant 0 : i32
      %dma_start3A_163 = tpu.memref_slice %arg5[%add3A_138, %dma_start3A_162] : memref<10000x64xf32, #tpu.memory_space<vmem_shared>> -> memref<113x64xf32, #tpu.memory_space<vmem_shared>>
      %dma_start3A_164 = arith.constant 0 : i32
      %dma_start3A_165 = arith.constant 0 : i32
      %dma_start3A_166 = tpu.memref_slice %arg10[%dma_start3A_164, %dma_start3A_165] : memref<125x64xf32, #tpu.memory_space<vmem>> -> memref<113x64xf32, #tpu.memory_space<vmem>>
      %dma_start3A_167 = arith.constant 0 : i32
      %dma_start3A_168 = tpu.memref_slice %arg5[%add3A_138, %dma_start3A_167] : memref<10000x64xf32, #tpu.memory_space<vmem_shared>> -> memref<113x64xf32, #tpu.memory_space<vmem_shared>>
      tpu.enqueue_dma source(%dma_start3A_168 : memref<113x64xf32, #tpu.memory_space<vmem_shared>>) target(%dma_start3A_166 : memref<113x64xf32, #tpu.memory_space<vmem>>) target_semaphore(%run_scoped3A : memref<!tpu.dma_semaphore, #tpu.memory_space<semaphore_mem>>)
      %dma_wait3A_169 = arith.constant 0 : i32
      %dma_wait3A_170 = arith.constant 0 : i32
      %dma_wait3A_171 = tpu.memref_slice %arg10[%dma_wait3A_169, %dma_wait3A_170] : memref<125x64xf32, #tpu.memory_space<vmem>> -> memref<113x64xf32, #tpu.memory_space<vmem>>
      %dma_wait3A_172 = arith.constant 0 : i32
      %dma_wait3A_173 = tpu.memref_slice %arg5[%add3A_138, %dma_wait3A_172] : memref<10000x64xf32, #tpu.memory_space<vmem_shared>> -> memref<113x64xf32, #tpu.memory_space<vmem_shared>>
      %dma_wait3A_174 = arith.constant 0 : i32
      %dma_wait3A_175 = arith.constant 0 : i32
      %dma_wait3A_176 = tpu.memref_slice %arg10[%dma_wait3A_174, %dma_wait3A_175] : memref<125x64xf32, #tpu.memory_space<vmem>> -> memref<113x64xf32, #tpu.memory_space<vmem>>
      %dma_wait3A_177 = arith.constant 0 : i32
      %dma_wait3A_178 = tpu.memref_slice %arg5[%add3A_138, %dma_wait3A_177] : memref<10000x64xf32, #tpu.memory_space<vmem_shared>> -> memref<113x64xf32, #tpu.memory_space<vmem_shared>>
      tpu.wait_dma2 semaphore(%run_scoped3A : memref<!tpu.dma_semaphore, #tpu.memory_space<semaphore_mem>>) src(%dma_wait3A_178 : memref<113x64xf32, #tpu.memory_space<vmem_shared>>) dst(%dma_wait3A_176 : memref<113x64xf32, #tpu.memory_space<vmem>>)
      tpu.yield
    }) : () -> ()
    %add3A_139 = arith.constant 512 : i32
    %add3A_140 = arith.addi %mul3A_134, %add3A_139 : i32
    %dma_start3A_141 = arith.constant 0 : i32
    %dma_start3A_142 = arith.constant 0 : i32
    %dma_start3A_143 = tpu.memref_slice %arg10[%dma_start3A_141, %dma_start3A_142] : memref<125x64xf32, #tpu.memory_space<vmem>> -> memref<113x64xf32, #tpu.memory_space<vmem>>
    %dma_start3A_144 = tpu.memref_slice %arg4[%add3A_140, %mul3A_0] : memref<10000x128xf32, #tpu.memory_space<hbm>> -> memref<113x64xf32, #tpu.memory_space<hbm>>
    %dma_start3A_145 = tpu.memref_slice %arg4[%add3A_140, %mul3A_0] : memref<10000x128xf32, #tpu.memory_space<hbm>> -> memref<113x64xf32, #tpu.memory_space<hbm>>
    %dma_start3A_146 = arith.constant 0 : i32
    %dma_start3A_147 = arith.constant 0 : i32
    %dma_start3A_148 = tpu.memref_slice %arg10[%dma_start3A_146, %dma_start3A_147] : memref<125x64xf32, #tpu.memory_space<vmem>> -> memref<113x64xf32, #tpu.memory_space<vmem>>
    tpu.enqueue_dma source(%dma_start3A_148 : memref<113x64xf32, #tpu.memory_space<vmem>>) target(%dma_start3A_145 : memref<113x64xf32, #tpu.memory_space<hbm>>) target_semaphore(%arg14 : memref<!tpu.dma_semaphore, #tpu.memory_space<semaphore_mem>>)
    %dma_wait3A_149 = tpu.memref_slice %arg4[%mul3A_134, %mul3A_0] : memref<10000x128xf32, #tpu.memory_space<hbm>> -> memref<512x64xf32, #tpu.memory_space<hbm>>
    %dma_wait3A_150 = tpu.memref_slice %arg4[%mul3A_134, %mul3A_0] : memref<10000x128xf32, #tpu.memory_space<hbm>> -> memref<512x64xf32, #tpu.memory_space<hbm>>
    tpu.wait_dma2 semaphore(%arg12 : memref<!tpu.dma_semaphore, #tpu.memory_space<semaphore_mem>>) src(%arg7 : memref<512x64xf32, #tpu.memory_space<vmem>>) dst(%dma_wait3A_150 : memref<512x64xf32, #tpu.memory_space<hbm>>)
    %dma_wait3A_151 = arith.constant 0 : i32
    %dma_wait3A_152 = arith.constant 0 : i32
    %dma_wait3A_153 = tpu.memref_slice %arg10[%dma_wait3A_151, %dma_wait3A_152] : memref<125x64xf32, #tpu.memory_space<vmem>> -> memref<113x64xf32, #tpu.memory_space<vmem>>
    %dma_wait3A_154 = tpu.memref_slice %arg4[%add3A_140, %mul3A_0] : memref<10000x128xf32, #tpu.memory_space<hbm>> -> memref<113x64xf32, #tpu.memory_space<hbm>>
    %dma_wait3A_155 = tpu.memref_slice %arg4[%add3A_140, %mul3A_0] : memref<10000x128xf32, #tpu.memory_space<hbm>> -> memref<113x64xf32, #tpu.memory_space<hbm>>
    %dma_wait3A_156 = arith.constant 0 : i32
    %dma_wait3A_157 = arith.constant 0 : i32
    %dma_wait3A_158 = tpu.memref_slice %arg10[%dma_wait3A_156, %dma_wait3A_157] : memref<125x64xf32, #tpu.memory_space<vmem>> -> memref<113x64xf32, #tpu.memory_space<vmem>>
    tpu.wait_dma2 semaphore(%arg14 : memref<!tpu.dma_semaphore, #tpu.memory_space<semaphore_mem>>) src(%dma_wait3A_158 : memref<113x64xf32, #tpu.memory_space<vmem>>) dst(%dma_wait3A_155 : memref<113x64xf32, #tpu.memory_space<hbm>>)
    return
  }
}

</mosaic_0001>

<sc_bundles>
// kernel: kernel.3.cloned.1.call-start
scs
__scs_entry_jumppad:
0x0: {  	(pc) =	sbr.rel $0x88, $3  }
0x1: {  	(tag) =	ssettag $0x0;
	lr =	simm.s32 $0x1  }
0x2: {  	[smem:$0x3F9F] =	sst lr;
	_ =	strace $0xD0000000  }
0x3: {  	_ = 	snop  }
0x4: {  	_ = 	snop  }
0x5: {  	_ = 	snop  }
0x6: {  	_ = 	snop  }
0x7: {  	_ = 	snop  }
__scs_overlays_trampoline_lowered:
0x8: {  	[smem:$0x3FAE] =	sst s0  }
0x9: {  	[smem:$0x3FAF] =	sst s1  }
0xa: {  	[smem:$0x3FB0] =	sst s2  }
0xb: {  	[smem:$0x3FB1] =	sst s3  }
0xc: {  	[smem:$0x3FB2] =	sst s4  }
0xd: {  	[smem:$0x3FB3] =	sst s5  }
0xe: {  	[smem:$0x3FB4] =	sst s6  }
0xf: {  	[smem:$0x3FB5] =	sst s7  }
0x10: {  	[smem:$0x3FB6] =	sst s8  }
0x11: {  	[smem:$0x3FB7] =	sst s9;
	s0 =	simm.s32 @!p0 $0x0  }
0x12: {  	s1 =	sld [smem:$0x3F9D];
	s0 =	simm.s32 @p0 $0x1  }
0x13: {  	[smem:$0x3FB8] =	sst s0;
	s0 =	simm.s32 @!p1 $0x0  }
0x14: {  	s2 =	sld [smem:$0x3F9C];
	s0 =	simm.s32 @p1 $0x1  }
0x15: {  	[smem:$0x3FB9] =	sst s0;
	s0 =	simm.s32 @!p2 $0x0  }
0x16: {  	s3 =	sld [smem:$0x3FDB];
	s0 =	simm.s32 @p2 $0x1  }
0x17: {  	s4 =	simm.s32 $0x1BF5;
	[smem:$0x3FBB] =	sst s0  }
0x18: {  	s0 =	sld [smem:$0x3F9E];
	_ =	swait.ge [sflag:s4], $0x0  }
0x19: {  	s7 =	sld [smem:$0x3F9F]  }
0x1a: {  	s8 =	sadd.s32 $0xFFFFE003, lr  }
0x1b: {  	s9 =	sadd.s32 $0xFFFFFEF7, lr;
	s5 =	simm.s32 $0xFFFFFFFF;
	p2 =	slt.u32 s8, $0xFFFFF086  }
0x1c: {  	p1 =	slt.u32 s9, $0xF7A;
	s5 =	simm.s32 @!p2 $0x0  }
0x1d: {  	s5 =	simm.s32 @p1 $0x1;
	p0 =	seq.s32 s7, s2  }
0x1e: {  	s7 =	smul.u32 @!p0 $0xF7A, s2;
	p2 =	seq.s32 @!p0 s5, $0x0  }
0x1f: {  	s9 =	smul.u32 $0xF7A, s1;
	s8 =	simm.s32 @!p0 $0x1BF5;
	p2 =	por !p2, p0  }
0x20: {  	[sflag:s8] =	ssyncset.s32 @!p0 $0xFFFFF086;
	s6 =	sadd.s32 @!p0 s3, s7;
	s7 =	simm.s32 @!p0 $0x108  }
0x21: {  	s3 =	sadd.s32 s3, s9;
	s6 =	sadd.s32 @!p0 $0x88, s6;
	s7 =	simm.s32 @p2 $0x1082  }
0x22: {  	[simem:s7], [sflag:s8] =	dma.local @!p0 [hbm:s6], $0xF7A  }
0x23: {  	s9 =	sor.u32 $0xD0000000, s2;
	s6 =	simm.s32 $0x108;
	_ =	swait.ge @!p0 [sflag:s8], $0x0  }
0x24: {  	s3 =	sadd.s32 $0x88, s3;
	s6 =	simm.s32 @!p1 $0x1082;
	[sflag:s4] =	ssyncset.s32 $0xFFFFF086  }
0x25: {  	[simem:s6], [sflag:s4] =	dma.local [hbm:s3], $0xF7A  }
0x26: {  	[smem:$0x3F9F] =	sst s1;
	(tag) =	ssettag s2;
	_ =	strace s9  }
0x27: {  	s1 =	sld [smem:$0x3FAF]  }
0x28: {  	s2 =	sld [smem:$0x3FB0]  }
0x29: {  	s4 =	sld [smem:$0x3FB2]  }
0x2a: {  	p0 =	seq.s32 s5, $0x0;
	s5 =	sld [smem:$0x3FB3]  }
0x2b: {  	s6 =	sld [smem:$0x3FB4]  }
0x2c: {  	s7 =	sld [smem:$0x3FB5]  }
0x2d: {  	s3 =	simm.s32 $0x108;
	s8 =	sld [smem:$0x3FB6]  }
0x2e: {  	s3 =	simm.s32 @!p0 $0x1082;
	s9 =	sld [smem:$0x3FB7]  }
0x2f: {  	lr =	sadd.s32 s0, s3;
	s0 =	sld [smem:$0x3FAE]  }
0x30: {  	s3 =	sld [smem:$0x3FB1]  }
0x31: {  	[smem:$0x3FBA] =	sst s10  }
0x32: {  	s10 =	sld [smem:$0x3FB8];
	_ =	sdelay $0x3  }
0x33: {  	p0 =	seq.s32 s10, $0x1;
	s10 =	sld [smem:$0x3FBA];
	_ =	sdelay $0x3  }
0x34: {  	[smem:$0x3FBA] =	sst s10  }
0x35: {  	s10 =	sld [smem:$0x3FB9];
	_ =	sdelay $0x3  }
0x36: {  	p1 =	seq.s32 s10, $0x1;
	s10 =	sld [smem:$0x3FBA];
	_ =	sdelay $0x3  }
0x37: {  	[smem:$0x3FBA] =	sst s10  }
0x38: {  	s10 =	sld [smem:$0x3FBB]  }
0x39: {  	_ = 	snop;
	(pc) =	sbr.ind lr, $3  }
0x3a: {  	_ = 	snop  }
0x3b: {  	_ = 	snop  }
0x3c: {  	p2 =	seq.s32 s10, $0x1;
	s10 =	sld [smem:$0x3FBA]  }
0x3d: {  	_ =	shalt  }
0x3e: {  	_ =	shalt  }
0x3f: {  	_ =	shalt  }
0x40: {  	_ =	shalt  }
0x41: {  	_ =	shalt  }
0x42: {  	_ =	shalt  }
0x43: {  	_ =	shalt  }
0x44: {  	_ =	shalt  }
0x45: {  	_ =	shalt  }
0x46: {  	_ =	shalt  }
0x47: {  	_ =	shalt  }
0x48: {  	_ =	shalt  }
0x49: {  	_ =	shalt  }
0x4a: {  	_ =	shalt  }
0x4b: {  	_ =	shalt  }
0x4c: {  	_ =	shalt  }
0x4d: {  	_ =	shalt  }
0x4e: {  	_ =	shalt  }
0x4f: {  	_ =	shalt  }
0x50: {  	_ =	shalt  }
0x51: {  	_ =	shalt  }
0x52: {  	_ =	shalt  }
0x53: {  	_ =	shalt  }
0x54: {  	_ =	shalt  }
0x55: {  	_ =	shalt  }
0x56: {  	_ =	shalt  }
0x57: {  	_ =	shalt  }
0x58: {  	_ =	shalt  }
0x59: {  	_ =	shalt  }
0x5a: {  	_ =	shalt  }
0x5b: {  	_ =	shalt  }
0x5c: {  	_ =	shalt  }
0x5d: {  	_ =	shalt  }
0x5e: {  	_ =	shalt  }
0x5f: {  	_ =	shalt  }
0x60: {  	_ =	shalt  }
0x61: {  	_ =	shalt  }
0x62: {  	_ =	shalt  }
0x63: {  	_ =	shalt  }
0x64: {  	_ =	shalt  }
0x65: {  	_ =	shalt  }
0x66: {  	_ =	shalt  }
0x67: {  	_ =	shalt  }
0x68: {  	_ =	shalt  }
0x69: {  	_ =	shalt  }
0x6a: {  	_ =	shalt  }
0x6b: {  	_ =	shalt  }
0x6c: {  	_ =	shalt  }
0x6d: {  	_ =	shalt  }
0x6e: {  	_ =	shalt  }
0x6f: {  	_ =	shalt  }
0x70: {  	_ =	shalt  }
0x71: {  	_ =	shalt  }
0x72: {  	_ =	shalt  }
0x73: {  	_ =	shalt  }
0x74: {  	_ =	shalt  }
0x75: {  	_ =	shalt  }
0x76: {  	_ =	shalt  }
0x77: {  	_ =	shalt  }
0x78: {  	_ =	shalt  }
0x79: {  	_ =	shalt  }
0x7a: {  	_ =	shalt  }
0x7b: {  	_ =	shalt  }
0x7c: {  	_ =	shalt  }
0x7d: {  	_ =	shalt  }
0x7e: {  	_ =	shalt  }
0x7f: {  	_ =	shalt  }
0x80: {  	_ =	shalt  }
0x81: {  	_ =	shalt  }
0x82: {  	_ =	shalt  }
0x83: {  	_ =	shalt  }
0x84: {  	_ =	shalt  }
0x85: {  	_ =	shalt  }
0x86: {  	_ =	shalt  }
0x87: {  	_ =	shalt  }
.Lfunc_end0:
.L_simem_size_0:
called_computation_lowered:
.L_overlay_start_0:
0x88: {  	s2 =	sld [smem:$0x3FD9]  }
0x89: {  	s3 =	sld [smem:$0x3FFE];
	_ =	sdelay $0x1  }
0x8a: {  	s1 =	srdreg.scid  }
0x8b: {  	s0 =	sand.u32 $0x1, s1  }
0x8c: {  	s17 =	sshll.u32 s0, $0xA;
	s2 =	sadd.s32 s3, s2  }
0x8d: {  	s2 =	sadd.s32 s2, s17  }
0x8e: {  	[smem:$0x3FC6] =	sst s2  }
0x8f: {  	_ = 	snop  }
0x90: {  	s2 =	sld [smem:$0x3FC8]  }
0x91: {  	s18 =	sld [smem:$0x3FD0];
	(tm) =	ssettm $0x1  }
0x92: {  	s4 =	sld [smem:$0x3FFB];
	_ =	sdelay $0x3  }
0x93: {  	_ =	strace s4  }
0x94: {  	s4 =	sld [smem:$0x3FFC];
	_ =	sdelay $0x3  }
0x95: {  	_ =	strace s4  }
0x96: {  	s4 =	sld [smem:$0x3FFD];
	_ =	sdelay $0x3  }
0x97: {  	_ =	strace s4  }
0x98: {  	_ =	strace $0x8FFFFFFF  }
0x99: {  	s19 =	sld [smem:$0x3FDB];
	_ =	sdelay $0x1  }
0x9a: {  	s5 =	simm.s32 $_scs_section_size  }
0x9b: {  	s6 =	simm.s32 $_size__tile_overlayer_lowered;
	s7 =	simm.s32 $_tile_overlayer_lowered  }
0x9c: {  	s22 =	simm.s32 $0x1BFF;
	s21 =	sshll.u32 s7, $0x1;
	s4 =	sadd.s32 s5, s19  }
0x9d: {  	s8 =	simm.s32 $0x0;
	s20 =	sshll.u32 s6, $0x1;
	s6 =	sadd.s32 s21, s4  }
0x9e: {  	[timem:s8], [sflag:s22] =	dma.local [hbm:s6], s20  }
0x9f: {  	_ =	swait.ge [sflag:s22], s20  }
0xa0: {  	s5 =	ssub.s32 $0x0, s20;
	[sflag:s22] =	ssyncset.done $0x0  }
0xa1: {  	[sflag:s22] =	ssyncadd.s32 s5;
	_ =	sdelay $0x1  }
0xa2: {  	s23 =	simm.s32 $0x1B8B  }
0xa3: {  	_ =	swait.ge [sflag:s23], $0x1  }
0xa4: {  	[sflag:s23] =	ssyncset.done $0x0  }
0xa5: {  	s25 =	simm.s32 $0x1B8E;
	s24 =	sld [smem:$0x3FFE];
	[sflag:s23] =	ssyncadd.s32 $0xFFFFFFFF  }
0xa6: {  	s26 =	simm.s32 $execute0_lowered;
	[smem:$0x3FD2] =	sst s25  }
0xa7: {  	s6 =	sshll.u32 s26, $0x1;
	_ =	strace $0x80000046;
	[dreg:$0x1] =	wrdreg $0xFFFFFFFF  }
0xa8: {  	s28 =	simm.s32 $_size_execute0_lowered;
	s4 =	sadd.s32 s4, s6;
	[dreg:$0x0] =	wrdreg $0x0  }
0xa9: {  	s6 =	sshll.u32 s28, $0x1;
	[dreg:$0x2] =	wrdreg s4  }
0xaa: {  	[dreg:$0x3] =	wrdreg s6  }
0xab: {  	[dreg:$0x4] =	wrdreg $0xC0  }
0xac: {  	_ =	task [dreg:s8], $0x5FFFF  }
0xad: {  	[dreg:$0x1] =	wrdreg $0xFFFFFFFF  }
0xae: {  	[dreg:$0x0] =	wrdreg $0x60  }
0xaf: {  	[dreg:$0x2] =	wrdreg s24  }
0xb0: {  	[dreg:$0x3] =	wrdreg s2  }
0xb1: {  	[dreg:$0x4] =	wrdreg s18  }
0xb2: {  	[dreg:$0x5] =	wrdreg $0x0  }
0xb3: {  	[dreg:$0x6] =	wrdreg $0x9  }
0xb4: {  	_ =	task.clear_ibuf [dreg:s8], $0x7FFFF;
	_ =	strace $0x90000046  }
0xb5: {  	s29 =	simm.s32 $0x9;
	_ =	strace $0x80000048  }
0xb6: {  	_ =	swait.ge [sflag:s29], $0x1  }
0xb7: {  	[sflag:s29] =	ssyncadd.s32 $0xFFFFFFFF  }
0xb8: {  	_ =	strace $0x90000048  }
0xb9: {  	_ =	sfence  }
0xba: {  	s30 =	sld [smem:$0x0];
	_ =	sdelay $0x2  }
0xbb: {  	s31 =	sshll.u32 s1, $0xD;
	s1 =	sshrl.u32 s1, $0x2  }
0xbc: {  	s3 =	sand.u32 $0x4000, s31;
	s1 =	sadd.s32 s1, s30  }
0xbd: {  	s0 =	sor.u32 s3, s0;
	s1 =	sshll.u32 s1, $0x11  }
0xbe: {  	s0 =	sor.u32 s1, s0  }
0xbf: {  	s0 =	sadd.s32 $0x8F2B, s0  }
0xc0: {  	[sflag:s0] =	ssyncadd.remote.s32 $0x1  }
0xc1: {  	_ =	sfence.sel $0xFFFF  }
0xc2: {  	[dreg:$0x0] =	wrdreg $0xFFFFFFFF;
	(pc) =	sbr.abs _section_cstart, $3  }
0xc3: {  	[dreg:$0x1] =	wrdreg $0xFFFFFFFF  }
0xc4: {  	_ =	task.clear_ibuf [dreg:s8], $0x2FFFF;
	_ =	strace $0x9FFFFFFF  }
0xc5: {  	(tm) =	ssettm $0x7FFFFFFF  }
tec
execute0_lowered:
.L_overlay_start_1:
0x0: {  	(tag) =	ssettag $0x1  }
0x1: {  	s0 =	rddreg [dreg:$0x0]  }
0x2: {  	s1 =	rddreg [dreg:$0x1];
	s12 =	stileid.u32  }
0x3: {  	s2 =	rddreg [dreg:$0x2];
	s6 =	smul.u32 $0x270000, s12  }
0x4: {  	s3 =	rddreg [dreg:$0x3];
	s4 =	simm.s32 $0x0;
	s8 =	smul.u32 $0x9C0, s12  }
0x5: {  	s5 =	srdreg.scid;
	s28 =	simm.s32 $0x11E40;
	s10 =	smul.u32 $0x4E00, s12  }
0x6: {  	s29 =	simm.s32 $0x12040;
	[smem:$0x7FF] =	sst s4;
	s31 =	smul.u32 $0x271, s12  }
0x7: {  	s5 =	sand.u32 $0x1, s5;
	s25 =	sshll.u32 s12, $0x7;
	s11 =	smul.u32 $0x27100, s12  }
0x8: {  	s14 =	smul.u32 $0x13880, s12;
	p0 =	sgt.u32 s12, $0x3;
	s12 =	simm.s32 $0x5  }
0x9: {  	s7 =	ssub.s32 $0x2, s5;
	s5 =	sshll.u32 s5, $0x6;
	_ =	strace $0x80000047  }
0xa: {  	s30 =	sor.u32 $0x4E000, s25;
	s9 =	sshrl.u32 s7, $0x1;
	s6 =	sor.u32 s5, s6  }
0xb: {  	s13 =	sadd.s32 s0, s8;
	s23 =	sshrl.u32 s10, $0x3;
	s10 =	sshll.u32 s30, $0x7  }
0xc: {  	s15 =	sshrl.u32 s11, $0x2;
	s17 =	sor.u32 s5, s14;
	s14 =	simm.s32 $0x4  }
0xd: {  	s11 =	simm.s32 $0x0;
	s7 =	ssub.s32 s7, s9;
	s21 =	sshrl.u32 s6, $0x3  }
0xe: {  	s8 =	sadd.s32 s0, s23;
	s24 =	sadd.s32 $0x10000, s6;
	s9 =	sshrl.u32 s30, $0x3  }
0xf: {  	s10 =	sor.u32 s5, s10;
	s16 =	sadd.s32 s15, s3;
	s25 =	sadd.s32 $0x30000, s6  }
0x10: {  	s30 =	sadd.s32 $0x20000, s6;
	[dreg:$0x5] =	wrdreg s13;
	s6 =	simm.s32 $0x1A040  }
0x11: {  	s15 =	simm.s32 $0x11EC0;
	s22 =	sadd.s32 s1, s21;
	[dreg:$0xb] =	wrdreg s16  }
0x12: {  	s8 =	sadd.s32 $0x40, s8;
	s26 =	sshrl.u32 s24, $0x3;
	[dreg:$0x14] =	wrdreg s30  }
0x13: {  	s0 =	sadd.s32 s0, s9;
	s10 =	sshrl.u32 s10, $0x3;
	[dreg:$0x6] =	wrdreg s22  }
0x14: {  	s21 =	smax.u32 s7, $0x1;
	s23 =	sadd.s32 $0x3E80, s16;
	[dreg:$0x7] =	wrdreg s8  }
0x15: {  	s24 =	sadd.s32 $0x5DC0, s16;
	s7 =	simm.s32 $0xBE40;
	[dreg:$0x9] =	wrdreg s0  }
0x16: {  	s9 =	simm.s32 $0x9DC0;
	s8 =	sadd.s32 s1, s26;
	[dreg:$0xf] =	wrdreg s21  }
0x17: {  	s0 =	sadd.s32 s1, s10;
	s22 =	sadd.s32 $0x1F40, s16;
	[dreg:$0x11] =	wrdreg s23  }
0x18: {  	[dreg:$0x12] =	wrdreg s24;
	s26 =	sadd.s32 $0x7D00, s16;
	s23 =	simm.s32 $0x9C40  }
0x19: {  	s24 =	simm.s32 $0x40;
	s10 =	simm.s32 $0xFE40;
	[dreg:$0x8] =	wrdreg s8  }
0x1a: {  	s16 =	simm.s32 $0x14040;
	s21 =	simm.s32 $0x6;
	[dreg:$0xa] =	wrdreg s0  }
0x1b: {  	s8 =	sadd.s32 $0x200, s31;
	s0 =	sshrl.u32 s17, $0x3;
	[dreg:$0x10] =	wrdreg s22  }
0x1c: {  	[dreg:$0x13] =	wrdreg s26;
	s31 =	sadd.s32 $0x80, s13;
	s26 =	simm.s32 $0x9E40  }
0x1d: {  	s13 =	simm.s32 $0x3;
	s17 =	simm.s32 $0x11F40;
	s18 =	sshll.u32 s8, $0x7  }
0x1e: {  	s8 =	sshll.u32 s8, $0x6;
	s0 =	sadd.s32 s2, s0;
	[dreg:$0x15] =	wrdreg s31  }
0x1f: {  	s5 =	sor.u32 s5, s18;
	[dreg:$0xc] =	wrdreg s0;
	s19 =	sadd.s32 s8, s3  }
.Ltmp0:
0x20: {  	s8 =	simm.s32 $0xDE40;
	s18 =	simm.s32 $0x16040;
	(pc) =	sbr.rel .LBB2_1-.Ltmp0, $4  }
0x21: {  	[dreg:$0xd] =	wrdreg s19;
	s20 =	sshrl.u32 s5, $0x3;
	s5 =	simm.s32 $0x9D40  }
0x22: {  	s19 =	simm.s32 $0x11FC0;
	s0 =	sadd.s32 s2, s20;
	s2 =	simm.s32 $0x2  }
0x23: {  	s20 =	simm.s32 $0x18040;
	[dreg:$0xe] =	wrdreg s0;
	s0 =	sshrl.u32 s25, $0x3  }
0x24: {  	v0 =	vimm.f32 $0.0e+00;
	s25 =	simm.s32 $0x80;
	s22 =	sadd.s32 s0, s1;
	s0 =	simm.s32 $0x1  }
.LBB2_6:
0x25: {  	_ =	swait.ge [sflag:s0], $0x200  }
0x26: {  	[sflag:s0] =	ssyncset.done $0x0  }
0x27: {  	[sflag:s0] =	ssyncadd.s32 $0xFFFFFE00  }
0x28: {  	_ =	swait.ge [sflag:s2], $0x8000  }
0x29: {  	[sflag:s2] =	ssyncset.done $0x0  }
0x2a: {  	[sflag:s2] =	ssyncadd.s32 $0xFFFF8000  }
0x2b: {  	[spmem:s3] =	stream.indirect.scatter.add.f32 [tilespmem:s26], [sflag:$0x5], $0x40, s23, s25, $0xb8;
	[tilespmem:$0x1BF80] =	vst v63  }
0x2c: {  	s1 =	simm.s32 $0x9CC0  }
0x2d: {  	[spmem:s3] =	stream.indirect.scatter.add.f32 [tilespmem:s7], [sflag:$0x5], $0x40, s1, s25, $0xb8;
	[tilespmem:$0x1BF80] =	vst v63  }
0x2e: {  	_ = 	snop  }
0x2f: {  	[spmem:s3] =	stream.indirect.scatter.add.f32 [tilespmem:s8], [sflag:$0x5], $0x40, s5, s25, $0xb8;
	[tilespmem:$0x1BF80] =	vst v63  }
0x30: {  	_ = 	snop  }
0x31: {  	[spmem:s3] =	stream.indirect.scatter.add.f32 [tilespmem:s10], [sflag:$0x5], $0x40, s9, s25, $0xb8;
	[tilespmem:$0x1BF80] =	vst v63  }
0x32: {  	_ =	swait.ge [sflag:s12], $0x2000  }
0x33: {  	[sflag:s12] =	ssyncset.done $0x0  }
0x34: {  	[sflag:s12] =	ssyncadd.s32 $0xFFFFE000  }
0x35: {  	_ =	swait.ge [sflag:s12], $0x2000  }
0x36: {  	[sflag:s12] =	ssyncset.done $0x0  }
0x37: {  	[sflag:s12] =	ssyncadd.s32 $0xFFFFE000  }
0x38: {  	_ =	swait.ge [sflag:s12], $0x2000  }
0x39: {  	[sflag:s12] =	ssyncset.done $0x0  }
0x3a: {  	[sflag:s12] =	ssyncadd.s32 $0xFFFFE000  }
0x3b: {  	_ =	swait.ge [sflag:s12], $0x2000  }
0x3c: {  	s11 =	simm.s32 @!p0 $0x9C40;
	[sflag:s12] =	ssyncset.done $0x0  }
0x3d: {  	s1 =	simm.s32 @!p0 $0x0;
	s6 =	rddreg [dreg:$0x9];
	[sflag:s12] =	ssyncadd.s32 $0xFFFFE000  }
0x3e: {  	[tilespmem:s11], [sflag:$0x7] =	stream.linear.gather @!p0 [hbm4b:s6+s1], $0x80, $0x38;
	[tilespmem:$0x1BF80] =	vst v63  }
0x3f: {  	s1 =	simm.s32 @!p0 $0x7  }
0x40: {  	_ =	swait.ge @!p0 [sflag:s1], $0x80  }
0x41: {  	s31 =	simm.s32 @!p0 $0x80;
	s30 =	simm.s32 @!p0 $0x40;
	[sflag:s1] =	ssyncset.done @!p0 $0x0  }
0x42: {  	s11 =	simm.s32 @!p0 $0x9E40;
	s6 =	rddreg [dreg:$0xa];
	[sflag:s1] =	ssyncadd.s32 @!p0 $0xFFFFFF80  }
0x43: {  	[tilespmem:s11], [sflag:$0x7] =	stream.strided.gather @!p0 [hbm4b:s6+s30], $0x2000, s31, s30, $0x38;
	[tilespmem:$0x1BF80] =	vst v63  }
0x44: {  	_ =	swait.ge @!p0 [sflag:s1], $0x2000  }
0x45: {  	[sflag:s1] =	ssyncset.done @!p0 $0x0  }
0x46: {  	s6 =	simm.s32 @!p0 $0x9C40;
	[sflag:s1] =	ssyncadd.s32 @!p0 $0xFFFFE000  }
0x47: {  	[spmem:s3] =	stream.indirect.scatter.add.f32 @!p0 [tilespmem:s11], [sflag:$0x7], $0x40, s6, s31, $0xb8;
	[tilespmem:$0x1BF80] =	vst v63  }
0x48: {  	_ =	swait.ge @!p0 [sflag:s1], $0x2000  }
0x49: {  	[sflag:s1] =	ssyncset.done @!p0 $0x0  }
0x4a: {  	[sflag:s1] =	ssyncadd.s32 @!p0 $0xFFFFE000  }
0x4b: {  	[bflag:$0x0] =	sbarrier.arrive $0xFFFF  }
0x4c: {  	s11 =	rddreg [dreg:$0xb]  }
0x4d: {  	[tilespmem:s26], [sflag:$0x7] =	stream.linear.gather [spmem:s11], $0x8000, $0x38;
	[tilespmem:$0x1BF80] =	vst v63  }
0x4e: {  	s11 =	simm.s32 $0x7  }
0x4f: {  	_ =	swait.ge [sflag:s11], $0x8000  }
0x50: {  	[sflag:s11] =	ssyncset.done $0x0  }
0x51: {  	s30 =	rddreg [dreg:$0xc];
	[sflag:s11] =	ssyncadd.s32 $0xFFFF8000  }
0x52: {  	[hbm4b:s30+s24] =	stream.strided.scatter [tilespmem:s26], [sflag:$0x2], $0x8000, s25, s24, $0x38;
	[tilespmem:$0x1BF80] =	vst v63  }
0x53: {  	s6 =	simm.s32 $0x1A040;
	s31 =	rddreg [dreg:$0xd]  }
0x54: {  	[tilespmem:s6], [sflag:$0x7] =	stream.linear.gather [spmem:s31], $0x1C40, $0x38;
	[tilespmem:$0x1BF80] =	vst v63  }
0x55: {  	_ =	swait.ge [sflag:s11], $0x1C40  }
0x56: {  	[sflag:s11] =	ssyncset.done $0x0  }
0x57: {  	[sflag:s11] =	ssyncadd.s32 $0xFFFFE3C0;
	s11 =	rddreg [dreg:$0xe]  }
0x58: {  	[hbm4b:s11+s24] =	stream.strided.scatter [tilespmem:s6], [sflag:$0x4], $0x1C40, s25, s24, $0x38;
	[tilespmem:$0x1BF80] =	vst v63  }
0x59: {  	_ =	swait.ge [sflag:s2], $0x8000  }
0x5a: {  	[sflag:s2] =	ssyncset.done $0x0  }
0x5b: {  	[sflag:s2] =	ssyncadd.s32 $0xFFFF8000  }
0x5c: {  	_ =	swait.ge [sflag:s14], $0x1C40  }
0x5d: {  	s30 =	rddreg [dreg:$0x16]  }
0x5e: {  	s31 =	rddreg [dreg:$0xf];
	s11 =	sadd.s32 $0x1, s30  }
0x5f: {  	p1 =	sne.s32 s11, s31  }
.Ltmp1:
0x60: {  	_ = 	snop;
	(pc) =	sbr.rel @!p1 .LBB2_7-.Ltmp1, $3  }
0x61: {  	_ =	sdelay $0x1  }
0x62: {  	[sflag:s14] =	ssyncset.done $0x0  }
0x63: {  	[sflag:s14] =	ssyncadd.s32 $0xFFFFE3C0  }
.LBB2_1:
0x64: {  	[dreg:$0x16] =	wrdreg s11  }
0x65: {  	s1 =	rddreg [dreg:$0x5]  }
0x66: {  	[tilespmem:s23], [sflag:$0x1] =	stream.linear.gather [hbm4b:s1+s4], $0x200, $0x38;
	[tilespmem:$0x1BF80] =	vst v63  }
0x67: {  	s31 =	rddreg [dreg:$0x6]  }
0x68: {  	[tilespmem:s26], [sflag:$0x2] =	stream.strided.gather [hbm4b:s31+s24], $0x8000, s25, s24, $0x38;
	[tilespmem:$0x1BF80] =	vst v63  }
0x69: {  	s11 =	rddreg [dreg:$0x7]  }
0x6a: {  	[tilespmem:s28], [sflag:$0x3] =	stream.linear.gather [hbm4b:s11+s4], $0x200, $0x38;
	[tilespmem:$0x1BF80] =	vst v63  }
0x6b: {  	s30 =	simm.s32 $0x100;
	s31 =	rddreg [dreg:$0x8];
	s11 =	simm.s32 $0x0  }
0x6c: {  	[tilespmem:s29], [sflag:$0x4] =	stream.strided.gather [hbm4b:s31+s24], $0x8000, s25, s24, $0x38;
	[tilespmem:$0x1BF80] =	vst v63  }
.LBB2_2:
0x6d: {  	p1 =	sne.s32 s30, $0x7C00;
	[tilespmem:s11+$0x1A070] =	vst v0;
	s31 =	smov.u32 s30;
	s30 =	sadd.s32 $0x100, s30  }
.Ltmp2:
0x6e: {  	[tilespmem:s11+$0x1A060] =	vst v0;
	(pc) =	sbr.rel @p1 .LBB2_2-.Ltmp2, $3  }
0x6f: {  	[tilespmem:s11+$0x1A040] =	vst v0  }
0x70: {  	[tilespmem:s11+$0x1A050] =	vst v0;
	_ =	sdelay $0x1  }
0x71: {  	s11 =	sshra.s32 s31, $0x2  }
0x72: {  	[tilespmem:s11+$0x1A070] =	vst v0  }
0x73: {  	[tilespmem:s11+$0x1A060] =	vst v0  }
0x74: {  	[tilespmem:s11+$0x1A040] =	vst v0  }
0x75: {  	[tilespmem:s11+$0x1A050] =	vst v0;
	s1 =	rddreg [dreg:$0xb];
	s11 =	simm.s32 $0x7  }
0x76: {  	[spmem:s1] =	stream.linear.scatter [tilespmem:s6], [sflag:$0x7], $0x1F40, $0x38;
	[tilespmem:$0x1BF80] =	vst v63  }
0x77: {  	_ =	swait.ge [sflag:s11], $0x1F40  }
0x78: {  	[sflag:s11] =	ssyncset.done $0x0  }
0x79: {  	s1 =	rddreg [dreg:$0x10];
	[sflag:s11] =	ssyncadd.s32 $0xFFFFE0C0  }
0x7a: {  	[spmem:s1] =	stream.linear.scatter [tilespmem:s6], [sflag:$0x7], $0x1F40, $0x38;
	[tilespmem:$0x1BF80] =	vst v63  }
0x7b: {  	_ =	swait.ge [sflag:s11], $0x1F40  }
0x7c: {  	[sflag:s11] =	ssyncset.done $0x0  }
0x7d: {  	s1 =	rddreg [dreg:$0x11];
	[sflag:s11] =	ssyncadd.s32 $0xFFFFE0C0  }
0x7e: {  	[spmem:s1] =	stream.linear.scatter [tilespmem:s6], [sflag:$0x7], $0x1F40, $0x38;
	[tilespmem:$0x1BF80] =	vst v63  }
0x7f: {  	_ =	swait.ge [sflag:s11], $0x1F40  }
0x80: {  	[sflag:s11] =	ssyncset.done $0x0  }
0x81: {  	s1 =	rddreg [dreg:$0x12];
	[sflag:s11] =	ssyncadd.s32 $0xFFFFE0C0  }
0x82: {  	[spmem:s1] =	stream.linear.scatter [tilespmem:s6], [sflag:$0x7], $0x1F40, $0x38;
	[tilespmem:$0x1BF80] =	vst v63  }
0x83: {  	_ =	swait.ge [sflag:s11], $0x1F40  }
0x84: {  	[sflag:s11] =	ssyncset.done $0x0  }
0x85: {  	s1 =	rddreg [dreg:$0x13];
	[sflag:s11] =	ssyncadd.s32 $0xFFFFE0C0  }
0x86: {  	[spmem:s1] =	stream.linear.scatter [tilespmem:s6], [sflag:$0x7], $0x1F40, $0x38;
	[tilespmem:$0x1BF80] =	vst v63  }
0x87: {  	_ =	swait.ge [sflag:s11], $0x1F40  }
0x88: {  	[sflag:s11] =	ssyncset.done $0x0  }
0x89: {  	[sflag:s11] =	ssyncadd.s32 $0xFFFFE0C0  }
0x8a: {  	[bflag:$0x0] =	sbarrier.arrive $0xFFFF  }
0x8b: {  	s11 =	rddreg [dreg:$0x15]  }
0x8c: {  	s30 =	simm.s32 $0x0;
	s31 =	rddreg [dreg:$0x14]  }
.LBB2_4:
0x8d: {  	_ =	swait.ge [sflag:s0], $0x200  }
0x8e: {  	[sflag:s0] =	ssyncset.done $0x0  }
0x8f: {  	[sflag:s0] =	ssyncadd.s32 $0xFFFFFE00  }
0x90: {  	_ =	swait.ge [sflag:s2], $0x8000  }
0x91: {  	[sflag:s2] =	ssyncset.done $0x0  }
0x92: {  	[sflag:s2] =	ssyncadd.s32 $0xFFFF8000  }
0x93: {  	[spmem:s3] =	stream.indirect.scatter.add.f32 [tilespmem:s26], [sflag:$0x5], $0x40, s23, s25, $0xb8;
	[tilespmem:$0x1BF80] =	vst v63  }
0x94: {  	s1 =	simm.s32 $0x9CC0  }
0x95: {  	[spmem:s3] =	stream.indirect.scatter.add.f32 [tilespmem:s7], [sflag:$0x5], $0x40, s1, s25, $0xb8;
	[tilespmem:$0x1BF80] =	vst v63  }
0x96: {  	_ = 	snop  }
0x97: {  	[spmem:s3] =	stream.indirect.scatter.add.f32 [tilespmem:s8], [sflag:$0x5], $0x40, s5, s25, $0xb8;
	[tilespmem:$0x1BF80] =	vst v63  }
0x98: {  	_ = 	snop  }
0x99: {  	[spmem:s3] =	stream.indirect.scatter.add.f32 [tilespmem:s10], [sflag:$0x5], $0x40, s9, s25, $0xb8;
	[tilespmem:$0x1BF80] =	vst v63  }
0x9a: {  	_ =	swait.ge [sflag:s12], $0x2000  }
0x9b: {  	[sflag:s12] =	ssyncset.done $0x0  }
0x9c: {  	[sflag:s12] =	ssyncadd.s32 $0xFFFFE000  }
0x9d: {  	_ =	swait.ge [sflag:s12], $0x2000  }
0x9e: {  	[sflag:s12] =	ssyncset.done $0x0  }
0x9f: {  	[sflag:s12] =	ssyncadd.s32 $0xFFFFE000  }
0xa0: {  	_ =	swait.ge [sflag:s12], $0x2000  }
0xa1: {  	[sflag:s12] =	ssyncset.done $0x0  }
0xa2: {  	[sflag:s12] =	ssyncadd.s32 $0xFFFFE000  }
0xa3: {  	_ =	swait.ge [sflag:s12], $0x2000  }
0xa4: {  	[sflag:s12] =	ssyncset.done $0x0  }
0xa5: {  	[sflag:s12] =	ssyncadd.s32 $0xFFFFE000  }
0xa6: {  	[tilespmem:s23], [sflag:$0x1] =	stream.linear.gather [hbm4b:s11+s4], $0x200, $0x38;
	[tilespmem:$0x1BF80] =	vst v63  }
0xa7: {  	s1 =	sshrl.u32 s31, $0x3;
	s6 =	rddreg [dreg:$0x1]  }
0xa8: {  	s1 =	sadd.s32 s6, s1  }
0xa9: {  	[tilespmem:s26], [sflag:$0x2] =	stream.strided.gather [hbm4b:s1+s24], $0x8000, s25, s24, $0x38;
	[tilespmem:$0x1BF80] =	vst v63  }
0xaa: {  	_ =	swait.ge [sflag:s13], $0x200  }
0xab: {  	[sflag:s13] =	ssyncset.done $0x0  }
0xac: {  	[sflag:s13] =	ssyncadd.s32 $0xFFFFFE00  }
0xad: {  	_ =	swait.ge [sflag:s14], $0x8000  }
0xae: {  	[sflag:s14] =	ssyncset.done $0x0  }
0xaf: {  	[sflag:s14] =	ssyncadd.s32 $0xFFFF8000  }
0xb0: {  	[spmem:s3] =	stream.indirect.scatter.add.f32 [tilespmem:s29], [sflag:$0x6], $0x40, s28, s25, $0xb8;
	[tilespmem:$0x1BF80] =	vst v63  }
0xb1: {  	_ = 	snop  }
0xb2: {  	[spmem:s3] =	stream.indirect.scatter.add.f32 [tilespmem:s16], [sflag:$0x6], $0x40, s15, s25, $0xb8;
	[tilespmem:$0x1BF80] =	vst v63  }
0xb3: {  	_ = 	snop  }
0xb4: {  	[spmem:s3] =	stream.indirect.scatter.add.f32 [tilespmem:s18], [sflag:$0x6], $0x40, s17, s25, $0xb8;
	[tilespmem:$0x1BF80] =	vst v63  }
0xb5: {  	_ = 	snop  }
0xb6: {  	[spmem:s3] =	stream.indirect.scatter.add.f32 [tilespmem:s20], [sflag:$0x6], $0x40, s19, s25, $0xb8;
	[tilespmem:$0x1BF80] =	vst v63  }
0xb7: {  	_ =	swait.ge [sflag:s21], $0x2000  }
0xb8: {  	[sflag:s21] =	ssyncset.done $0x0  }
0xb9: {  	[sflag:s21] =	ssyncadd.s32 $0xFFFFE000  }
0xba: {  	_ =	swait.ge [sflag:s21], $0x2000  }
0xbb: {  	[sflag:s21] =	ssyncset.done $0x0  }
0xbc: {  	[sflag:s21] =	ssyncadd.s32 $0xFFFFE000  }
0xbd: {  	p1 =	seq.s32 s30, $0x48000;
	_ =	swait.ge [sflag:s21], $0x2000  }
.Ltmp3:
0xbe: {  	[sflag:s21] =	ssyncset.done $0x0;
	(pc) =	sbr.rel @p1 .LBB2_6-.Ltmp3, $4  }
0xbf: {  	[sflag:s21] =	ssyncadd.s32 $0xFFFFE000  }
0xc0: {  	_ =	swait.ge [sflag:s21], $0x2000  }
0xc1: {  	[sflag:s21] =	ssyncset.done $0x0  }
0xc2: {  	[sflag:s21] =	ssyncadd.s32 $0xFFFFE000  }
.Ltmp4:
0xc3: {  	(pc) =	sbr.rel .LBB2_4-.Ltmp4, $4  }
0xc4: {  	s1 =	sadd.s32 $0x40, s11;
	s6 =	sadd.s32 s30, s22  }
0xc5: {  	[tilespmem:s28], [sflag:$0x3] =	stream.linear.gather [hbm4b:s1+s4], $0x200, $0x38;
	[tilespmem:$0x1BF80] =	vst v63  }
0xc6: {  	s31 =	sadd.s32 $0x20000, s31;
	s11 =	sadd.s32 $0x80, s11;
	s30 =	sadd.s32 $0x4000, s30  }
0xc7: {  	[tilespmem:s29], [sflag:$0x4] =	stream.strided.gather [hbm4b:s6+s24], $0x8000, s25, s24, $0x38;
	[tilespmem:$0x1BF80] =	vst v63  }
.LBB2_7:
0xc8: {  	_ =	sfence.sel $0x180000  }
0xc9: {  	[bflag:$0x0] =	sbarrier.arrive $0xFFFF  }
0xca: {  	_ =	strace $0x90000047  }
0xcb: {  	s0 =	stileid.u32;
	[bflag:$0x2] =	sbarrier.arrive $0xFFFF  }
0xcc: {  	p0 =	sne.s32 s0, $0x0;
	s0 =	rddreg [dreg:$0x4]  }
0xcd: {  	s0 =	sadd.s32 @!p0 $0x100000, s0  }
0xce: {  	[sflag:s0] =	ssyncadd.tile.s32 @!p0 $0x1;
	_ =	shalt  }
.Lfunc_end2:
_tile_overlayer_lowered:
.L_overlay_start_2:
0xcf: {  	(tag) =	ssettag $0x2  }
0xd0: {  	s0 =	rddreg [dreg:$0x0];
	s2 =	stileid.u32  }
0xd1: {  	s1 =	rddreg [dreg:$0x1];
	p0 =	sne.s32 s2, $0x0  }
0xd2: {  	s3 =	rddreg [dreg:$0x2];
	[bflag:$0x3] =	sbarrier.arrive $0xFFFF;
	s2 =	simm.s32 @!p0 $0x1C07  }
0xd3: {  	[timem:s3], [sflag:s2] =	dma.local @!p0 [hbm:s0], s1  }
0xd4: {  	s0 =	simm.s32 @!p0 $0x7  }
0xd5: {  	_ =	swait.ge @!p0 [sflag:s0], s1  }
0xd6: {  	s1 =	ssub.s32 @!p0 $0x0, s1;
	[sflag:s0] =	ssyncset.done @!p0 $0x0  }
0xd7: {  	[sflag:s0] =	ssyncadd.s32 @!p0 s1  }
0xd8: {  	[bflag:$0x3] =	sbarrier.arrive $0xFFFF  }
0xd9: {  	_ =	shalt  }

</sc_bundles>
